<compile_context>
chip_gen: v7x
topology: tpu7x:2x2x1
jax: 0.10.2.dev20260603
libtpu: 0.0.44.dev20260713+nightly
codegen_flags: <defaults>
</compile_context>

<pallas_src>
import functools

import jax
import jax.numpy as jnp
from jax import lax
from jax.experimental import pallas as pl
from jax.experimental.pallas import tpu as pltpu
from jax.experimental.pallas import tpu_sc as plsc

NC = 2
NS = 16
K = 64
CIB = 64
NB = 4
LA = 3


def _sc_aggregate(x, x_tilde, srcp, dstp, zrows):
    n, d = x.shape
    ns, ng, cib, k = srcp.shape
    zr = zrows.shape[0]
    n_acc = zr * (NS - 1) + 8 * (-(-(n + 1 - zr * (NS - 1)) // 8))
    zl = n_acc - zr * (NS - 1)
    ol = n - zr * (NS - 1)

    mesh = plsc.VectorSubcoreMesh(
        core_axis_name="c", subcore_axis_name="s", num_cores=NC, num_subcores=NS
    )

    @functools.partial(
        pl.kernel,
        out_type=jax.ShapeDtypeStruct((NC, n, d), jnp.float32),
        mesh=mesh,
        scratch_types=(
            [pltpu.VMEM((cib, k), jnp.int32)] * 2
            + [pltpu.VMEM((k, d), jnp.float32)] * NB
            + [pltpu.VMEM_SHARED((n_acc, d), jnp.float32)]
            + [pltpu.SemaphoreType.DMA] * (2 * NB)
        ),
    )
    def agg_kernel(x_hbm, xt_hbm, srcp_hbm, dstp_hbm, z_hbm, out_hbm,
                   src_v, dst_v, *rest):
        rows = rest[:NB]
        acc_sh = rest[NB]
        gsem = rest[NB + 1:NB + 1 + NB]
        ssem = rest[NB + 1 + NB:]
        c = lax.axis_index("c")
        s = lax.axis_index("s")

        @pl.when(s < NS - 1)
        def _():
            pltpu.sync_copy(z_hbm, acc_sh.at[pl.ds(s * zr, zr)])

        @pl.when(s == NS - 1)
        def _():
            pltpu.sync_copy(z_hbm.at[pl.ds(0, zl)],
                            acc_sh.at[pl.ds((NS - 1) * zr, zl)])

        plsc.subcore_barrier()

        def run(table_hbm, out2):
            def gstart(i, b):
                pltpu.async_copy(table_hbm.at[src_v.at[i]], rows[b], gsem[b])

            def gwait(i, b):
                pltpu.make_async_copy(
                    table_hbm.at[src_v.at[i]], rows[b], gsem[b]).wait()

            def sstart(i, b):
                pltpu.async_copy(rows[b], acc_sh.at[dst_v.at[i]], ssem[b],
                                 add=True)

            def swait(i, b):
                pltpu.make_async_copy(
                    rows[b], acc_sh.at[dst_v.at[i]], ssem[b]).wait()

            def group(g, carry):
                pltpu.sync_copy(srcp_hbm.at[s].at[g], src_v)
                pltpu.sync_copy(dstp_hbm.at[s].at[g], dst_v)
                for i in range(LA):
                    gstart(i, i % NB)

                def step(j, carry2):
                    for b in range(NB):
                        i = NB * j + b
                        gwait(i, b)
                        sstart(i, b)
                        bn = (b + LA) % NB
                        if b + LA < NB:
                            @pl.when(j >= 1)
                            def _():
                                swait(NB * (j - 1) + bn, bn)

                            gstart(i + LA, bn)
                        else:
                            @pl.when(j < cib // NB - 1)
                            def _():
                                swait(NB * j + bn, bn)
                                gstart(i + LA, bn)
                    return carry2

                lax.fori_loop(0, cib // NB, step, carry)
                for i in range(cib - NB, cib):
                    swait(i, i % NB)
                return carry

            lax.fori_loop(0, ng, group, 0)
            plsc.subcore_barrier()

            @pl.when(s < NS - 1)
            def _():
                pltpu.sync_copy(acc_sh.at[pl.ds(s * zr, zr)],
                                out2.at[pl.ds(s * zr, zr)])

            @pl.when(s == NS - 1)
            def _():
                pltpu.sync_copy(acc_sh.at[pl.ds((NS - 1) * zr, ol)],
                                out2.at[pl.ds((NS - 1) * zr, ol)])

        @pl.when(c == 0)
        def _():
            run(x_hbm, out_hbm.at[0])

        @pl.when(c == 1)
        def _():
            run(xt_hbm, out_hbm.at[1])

    return agg_kernel(x, x_tilde, srcp, dstp, zrows)


def _tc_head(agg, w, a11, wb):
    n = agg.shape[1]

    def head_kernel(agg_ref, w_ref, a_ref, wb_ref, out_ref):
        wt = w_ref[...].T
        a = a_ref[0, 0]
        h0 = jnp.dot(agg_ref[0], wt, preferred_element_type=jnp.float32)
        h = jnp.where(h0 >= 0, h0, a * h0)
        g0 = jnp.dot(agg_ref[1], wt, preferred_element_type=jnp.float32)
        g = jnp.where(g0 >= 0, g0, a * g0)
        s = jax.nn.sigmoid(jnp.sum(h, axis=0, keepdims=True) / n)
        v = jnp.dot(s, wb_ref[...].T, preferred_element_type=jnp.float32)
        dp = jnp.sum(h * v, axis=1, keepdims=True)
        dn = jnp.sum(g * v, axis=1, keepdims=True)
        out_ref[...] = jnp.concatenate([dp, dn], axis=1)

    return pl.pallas_call(
        head_kernel,
        out_shape=jax.ShapeDtypeStruct((n, 2), jnp.float32),
    )(agg, w, a11, wb)


def kernel(x, x_tilde, edge_index, W, prelu_a, Wb):
    n, d = x.shape
    e = edge_index.shape[1]
    src = edge_index[0].astype(jnp.int32)
    dst = edge_index[1].astype(jnp.int32)

    ng = -(-e // (NS * CIB * K))
    e_pad = NS * ng * CIB * K
    pad = e_pad - e
    srcp = jnp.concatenate(
        [src, jnp.zeros((pad,), jnp.int32)]).reshape(NS, ng, CIB, K)
    dstp = jnp.concatenate(
        [dst, jnp.full((pad,), n, jnp.int32)]).reshape(NS, ng, CIB, K)
    zr = 8 * (-(-(n + 1) // (8 * NS)))
    zrows = jnp.zeros((zr, d), jnp.float32)

    agg = _sc_aggregate(x, x_tilde, srcp, dstp, zrows)
    out2 = _tc_head(agg, W, jnp.reshape(prelu_a, (1, 1)), Wb[0])
    return out2.T.reshape(1, 2 * n)

# --- scband reference (transcript-rebuilt; emitter-appended) ---
"""Pipeline reference for scband-dgi-79628693668159 (READ-ONLY COPY).

The authoritative reference and input builder live on the scoring server;
editing this copy changes nothing except your own understanding.
"""

import jax, jax.numpy as jnp
import numpy as np

N = 10000
E = 320000
D_IN = 128
D_HID = 128

def setup_inputs(seed: int = 0) -> dict:
    key = jax.random.key(seed)
    k1, k2, k3, k4, k5 = jax.random.split(key, 5)
    x = jax.random.normal(k1, (N, D_IN), dtype=jnp.float32)
    x_tilde = jax.random.normal(k2, (N, D_IN), dtype=jnp.float32)
    edge_index = jax.random.randint(k3, (2, E), 0, N, dtype=jnp.int64)
    # GCN linear weight (torch Linear weight shape [out, in], no bias), xavier-uniform
    lim_w = np.sqrt(6.0 / (D_IN + D_HID))
    W = jax.random.uniform(k4, (D_HID, D_IN), dtype=jnp.float32, minval=-lim_w, maxval=lim_w)
    # PReLU single learnable slope (torch default init 0.25)
    prelu_a = jnp.array(0.25, dtype=jnp.float32)
    # Bilinear discriminator weight [1, hidden, hidden], xavier-uniform
    lim_b = np.sqrt(6.0 / (D_HID + D_HID))
    Wb = jax.random.uniform(k5, (1, D_HID, D_HID), dtype=jnp.float32, minval=-lim_b, maxval=lim_b)
    return {"x": x, "x_tilde": x_tilde, "edge_index": edge_index, "W": W, "prelu_a": prelu_a, "Wb": Wb}


def reference(x, x_tilde, edge_index, W, prelu_a, Wb):
    src = edge_index[0]
    dst = edge_index[1]

    def gcn(feat):
        # torch.spmm(adj, x): scatter-add gathered source features into destination rows
        agg = jnp.zeros((N, D_IN), dtype=feat.dtype).at[dst].add(feat[src])
        out = agg @ W.T
        # PReLU
        return jnp.where(out >= 0, out, prelu_a * out)

    h = gcn(x)
    h_tilde = gcn(x_tilde)
    # Readout: sigmoid(mean over nodes), expanded to h's shape
    s = jax.nn.sigmoid(jnp.mean(h, axis=0))[None, :]
    s_e = jnp.broadcast_to(s, h.shape)
    # Bilinear discriminator (no bias): out[n] = h[n] @ Wb[0] @ s_e[n]
    dp = jnp.einsum('nd,de,ne->n', h, Wb[0], s_e)[None, :]
    dn = jnp.einsum('nd,de,ne->n', h_tilde, Wb[0], s_e)[None, :]
    return jnp.concatenate((dp, dn), axis=1)

if __name__ == "__main__":
    import jax
    _d = setup_inputs()
    print(jax.jit(kernel)(*tuple(_d.values())))

</pallas_src>

<mosaic_0001>
#map = affine_map<(d0, d1) -> (0, 0)>
#map1 = affine_map<(d0, d1) -> (0, 0, 0, 0)>
#map2 = affine_map<(d0, d1) -> (0, 0, 0)>
module attributes {stable_mosaic.version = 14 : i64} {
  func.func @agg_kernel(%arg0: i32, %arg1: i32, %arg2: memref<10000x128xf32, #tpu.memory_space<hbm>>, %arg3: memref<10000x128xf32, #tpu.memory_space<hbm>>, %arg4: memref<16x5x64x64xi32, #tpu.memory_space<hbm>>, %arg5: memref<16x5x64x64xi32, #tpu.memory_space<hbm>>, %arg6: memref<632x128xf32, #tpu.memory_space<hbm>>, %arg7: memref<2x10000x128xf32, #tpu.memory_space<hbm>>, %arg8: memref<64x64xi32, #tpu.memory_space<vmem>>, %arg9: memref<64x64xi32, #tpu.memory_space<vmem>>, %arg10: memref<64x128xf32, #tpu.memory_space<vmem>>, %arg11: memref<64x128xf32, #tpu.memory_space<vmem>>, %arg12: memref<64x128xf32, #tpu.memory_space<vmem>>, %arg13: memref<64x128xf32, #tpu.memory_space<vmem>>, %arg14: memref<10008x128xf32, #tpu.memory_space<vmem_shared>>, %arg15: memref<!tpu.dma_semaphore, #tpu.memory_space<semaphore_mem>>, %arg16: memref<!tpu.dma_semaphore, #tpu.memory_space<semaphore_mem>>, %arg17: memref<!tpu.dma_semaphore, #tpu.memory_space<semaphore_mem>>, %arg18: memref<!tpu.dma_semaphore, #tpu.memory_space<semaphore_mem>>, %arg19: memref<!tpu.dma_semaphore, #tpu.memory_space<semaphore_mem>>, %arg20: memref<!tpu.dma_semaphore, #tpu.memory_space<semaphore_mem>>, %arg21: memref<!tpu.dma_semaphore, #tpu.memory_space<semaphore_mem>>, %arg22: memref<!tpu.dma_semaphore, #tpu.memory_space<semaphore_mem>>) attributes {dimension_semantics = [#tpu.dimension_semantics<core_parallel>, #tpu.dimension_semantics<subcore_parallel>], iteration_bounds = array<i64: 2, 16>, scalar_prefetch = 0 : i64, scratch_operands = 15 : i64, tpu.core_type = #tpu.core_type<sc_vector_subcore>, window_params = [{transform_indices = #map}, {transform_indices = #map}, {transform_indices = #map1}, {transform_indices = #map1}, {transform_indices = #map}, {transform_indices = #map2}]} {
    %lt3A = arith.constant 15 : i32
    %lt3A_0 = arith.cmpi slt, %arg1, %lt3A : i32
    %convert_element_type3A = arith.extui %lt3A_0 : i1 to i32
    %cond3A = arith.constant 0 : i32
    %cond3A_1 = arith.cmpi ne, %convert_element_type3A, %cond3A : i32
    scf.if %cond3A_1 {
      %mul3A = arith.constant 632 : i32
      %mul3A_16 = arith.muli %arg1, %mul3A : i32
      "tpu.region"() ({
        %run_scoped3A = tpu.sem_alloc : memref<!tpu.dma_semaphore, #tpu.memory_space<semaphore_mem>>
        %dma_start3A = arith.constant 0 : i32
        %dma_start3A_17 = tpu.memref_slice %arg14[%mul3A_16, %dma_start3A] : memref<10008x128xf32, #tpu.memory_space<vmem_shared>> -> memref<632x128xf32, #tpu.memory_space<vmem_shared>>
        tpu.enqueue_dma source(%arg6 : memref<632x128xf32, #tpu.memory_space<hbm>>) target(%dma_start3A_17 : memref<632x128xf32, #tpu.memory_space<vmem_shared>>) target_semaphore(%run_scoped3A : memref<!tpu.dma_semaphore, #tpu.memory_space<semaphore_mem>>)
        %dma_wait3A = arith.constant 0 : i32
        %dma_wait3A_18 = tpu.memref_slice %arg14[%mul3A_16, %dma_wait3A] : memref<10008x128xf32, #tpu.memory_space<vmem_shared>> -> memref<632x128xf32, #tpu.memory_space<vmem_shared>>
        tpu.wait_dma2 semaphore(%run_scoped3A : memref<!tpu.dma_semaphore, #tpu.memory_space<semaphore_mem>>) src(%arg6 : memref<632x128xf32, #tpu.memory_space<hbm>>) dst(%dma_wait3A_18 : memref<632x128xf32, #tpu.memory_space<vmem_shared>>)
        tpu.yield
      }) : () -> ()
    } else {
    }
    %eq3A = arith.constant 15 : i32
    %eq3A_2 = arith.cmpi eq, %arg1, %eq3A : i32
    %convert_element_type3A_3 = arith.extui %eq3A_2 : i1 to i32
    %cond3A_4 = arith.constant 0 : i32
    %cond3A_5 = arith.cmpi ne, %convert_element_type3A_3, %cond3A_4 : i32
    scf.if %cond3A_5 {
      "tpu.region"() ({
        %run_scoped3A = tpu.sem_alloc : memref<!tpu.dma_semaphore, #tpu.memory_space<semaphore_mem>>
        %dma_start3A = arith.constant 9480 : i32
        %dma_start3A_16 = arith.constant 0 : i32
        %dma_start3A_17 = tpu.memref_slice %arg14[%dma_start3A, %dma_start3A_16] : memref<10008x128xf32, #tpu.memory_space<vmem_shared>> -> memref<528x128xf32, #tpu.memory_space<vmem_shared>>
        %dma_start3A_18 = arith.constant 0 : i32
        %dma_start3A_19 = arith.constant 0 : i32
        %dma_start3A_20 = tpu.memref_slice %arg6[%dma_start3A_18, %dma_start3A_19] : memref<632x128xf32, #tpu.memory_space<hbm>> -> memref<528x128xf32, #tpu.memory_space<hbm>>
        tpu.enqueue_dma source(%dma_start3A_20 : memref<528x128xf32, #tpu.memory_space<hbm>>) target(%dma_start3A_17 : memref<528x128xf32, #tpu.memory_space<vmem_shared>>) target_semaphore(%run_scoped3A : memref<!tpu.dma_semaphore, #tpu.memory_space<semaphore_mem>>)
        %dma_wait3A = arith.constant 9480 : i32
        %dma_wait3A_21 = arith.constant 0 : i32
        %dma_wait3A_22 = tpu.memref_slice %arg14[%dma_wait3A, %dma_wait3A_21] : memref<10008x128xf32, #tpu.memory_space<vmem_shared>> -> memref<528x128xf32, #tpu.memory_space<vmem_shared>>
        %dma_wait3A_23 = arith.constant 0 : i32
        %dma_wait3A_24 = arith.constant 0 : i32
        %dma_wait3A_25 = tpu.memref_slice %arg6[%dma_wait3A_23, %dma_wait3A_24] : memref<632x128xf32, #tpu.memory_space<hbm>> -> memref<528x128xf32, #tpu.memory_space<hbm>>
        tpu.wait_dma2 semaphore(%run_scoped3A : memref<!tpu.dma_semaphore, #tpu.memory_space<semaphore_mem>>) src(%dma_wait3A_25 : memref<528x128xf32, #tpu.memory_space<hbm>>) dst(%dma_wait3A_22 : memref<528x128xf32, #tpu.memory_space<vmem_shared>>)
        tpu.yield
      }) : () -> ()
    } else {
    }
    %barrier3A = arith.constant 0 : index
    tpu.barrier barrier_id(%barrier3A)
    %eq3A_6 = arith.constant 0 : i32
    %eq3A_7 = arith.cmpi eq, %arg0, %eq3A_6 : i32
    %convert_element_type3A_8 = arith.extui %eq3A_7 : i1 to i32
    %cond3A_9 = arith.constant 0 : i32
    %cond3A_10 = arith.cmpi ne, %convert_element_type3A_8, %cond3A_9 : i32
    scf.if %cond3A_10 {
      %scan3A = arith.constant 0 : i32
      %scan3A_16 = arith.constant 0 : i32
      %scan3A_17 = arith.constant 5 : i32
      %scan3A_18 = arith.addi %scan3A_16, %scan3A_17 : i32
      %scan3A_19 = arith.constant 1 : i32
      scf.for %scan3A_34 = %scan3A_16 to %scan3A_18 step %scan3A_19  : i32 {
        "tpu.region"() ({
          %run_scoped3A = tpu.sem_alloc : memref<!tpu.dma_semaphore, #tpu.memory_space<semaphore_mem>>
          %dma_start3A_87 = arith.constant 0 : i32
          %dma_start3A_88 = arith.constant 0 : i32
          %dma_start3A_89 = arith.constant 0 : i32
          %dma_start3A_90 = tpu.memref_slice %arg4[%arg1, %dma_start3A_87, %dma_start3A_88, %dma_start3A_89] : memref<16x5x64x64xi32, #tpu.memory_space<hbm>> -> memref<1x5x64x64xi32, #tpu.memory_space<hbm>>
          %dma_start3A_91 = tpu.memref_squeeze %dma_start3A_90 : memref<1x5x64x64xi32, #tpu.memory_space<hbm>> -> memref<5x64x64xi32, #tpu.memory_space<hbm>>
          %dma_start3A_92 = arith.constant 0 : i32
          %dma_start3A_93 = arith.constant 0 : i32
          %dma_start3A_94 = tpu.memref_slice %dma_start3A_91[%scan3A_34, %dma_start3A_92, %dma_start3A_93] : memref<5x64x64xi32, #tpu.memory_space<hbm>> -> memref<1x64x64xi32, #tpu.memory_space<hbm>>
          %dma_start3A_95 = tpu.memref_squeeze %dma_start3A_94 : memref<1x64x64xi32, #tpu.memory_space<hbm>> -> memref<64x64xi32, #tpu.memory_space<hbm>>
          %dma_start3A_96 = arith.constant 0 : i32
          %dma_start3A_97 = arith.constant 0 : i32
          %dma_start3A_98 = arith.constant 0 : i32
          %dma_start3A_99 = tpu.memref_slice %arg4[%arg1, %dma_start3A_96, %dma_start3A_97, %dma_start3A_98] : memref<16x5x64x64xi32, #tpu.memory_space<hbm>> -> memref<1x5x64x64xi32, #tpu.memory_space<hbm>>
          %dma_start3A_100 = tpu.memref_squeeze %dma_start3A_99 : memref<1x5x64x64xi32, #tpu.memory_space<hbm>> -> memref<5x64x64xi32, #tpu.memory_space<hbm>>
          %dma_start3A_101 = arith.constant 0 : i32
          %dma_start3A_102 = arith.constant 0 : i32
          %dma_start3A_103 = tpu.memref_slice %dma_start3A_100[%scan3A_34, %dma_start3A_101, %dma_start3A_102] : memref<5x64x64xi32, #tpu.memory_space<hbm>> -> memref<1x64x64xi32, #tpu.memory_space<hbm>>
          %dma_start3A_104 = tpu.memref_squeeze %dma_start3A_103 : memref<1x64x64xi32, #tpu.memory_space<hbm>> -> memref<64x64xi32, #tpu.memory_space<hbm>>
          tpu.enqueue_dma source(%dma_start3A_104 : memref<64x64xi32, #tpu.memory_space<hbm>>) target(%arg8 : memref<64x64xi32, #tpu.memory_space<vmem>>) target_semaphore(%run_scoped3A : memref<!tpu.dma_semaphore, #tpu.memory_space<semaphore_mem>>)
          %dma_wait3A_105 = arith.constant 0 : i32
          %dma_wait3A_106 = arith.constant 0 : i32
          %dma_wait3A_107 = arith.constant 0 : i32
          %dma_wait3A_108 = tpu.memref_slice %arg4[%arg1, %dma_wait3A_105, %dma_wait3A_106, %dma_wait3A_107] : memref<16x5x64x64xi32, #tpu.memory_space<hbm>> -> memref<1x5x64x64xi32, #tpu.memory_space<hbm>>
          %dma_wait3A_109 = tpu.memref_squeeze %dma_wait3A_108 : memref<1x5x64x64xi32, #tpu.memory_space<hbm>> -> memref<5x64x64xi32, #tpu.memory_space<hbm>>
          %dma_wait3A_110 = arith.constant 0 : i32
          %dma_wait3A_111 = arith.constant 0 : i32
          %dma_wait3A_112 = tpu.memref_slice %dma_wait3A_109[%scan3A_34, %dma_wait3A_110, %dma_wait3A_111] : memref<5x64x64xi32, #tpu.memory_space<hbm>> -> memref<1x64x64xi32, #tpu.memory_space<hbm>>
          %dma_wait3A_113 = tpu.memref_squeeze %dma_wait3A_112 : memref<1x64x64xi32, #tpu.memory_space<hbm>> -> memref<64x64xi32, #tpu.memory_space<hbm>>
          %dma_wait3A_114 = arith.constant 0 : i32
          %dma_wait3A_115 = arith.constant 0 : i32
          %dma_wait3A_116 = arith.constant 0 : i32
          %dma_wait3A_117 = tpu.memref_slice %arg4[%arg1, %dma_wait3A_114, %dma_wait3A_115, %dma_wait3A_116] : memref<16x5x64x64xi32, #tpu.memory_space<hbm>> -> memref<1x5x64x64xi32, #tpu.memory_space<hbm>>
          %dma_wait3A_118 = tpu.memref_squeeze %dma_wait3A_117 : memref<1x5x64x64xi32, #tpu.memory_space<hbm>> -> memref<5x64x64xi32, #tpu.memory_space<hbm>>
          %dma_wait3A_119 = arith.constant 0 : i32
          %dma_wait3A_120 = arith.constant 0 : i32
          %dma_wait3A_121 = tpu.memref_slice %dma_wait3A_118[%scan3A_34, %dma_wait3A_119, %dma_wait3A_120] : memref<5x64x64xi32, #tpu.memory_space<hbm>> -> memref<1x64x64xi32, #tpu.memory_space<hbm>>
          %dma_wait3A_122 = tpu.memref_squeeze %dma_wait3A_121 : memref<1x64x64xi32, #tpu.memory_space<hbm>> -> memref<64x64xi32, #tpu.memory_space<hbm>>
          tpu.wait_dma2 semaphore(%run_scoped3A : memref<!tpu.dma_semaphore, #tpu.memory_space<semaphore_mem>>) src(%dma_wait3A_122 : memref<64x64xi32, #tpu.memory_space<hbm>>) dst(%arg8 : memref<64x64xi32, #tpu.memory_space<vmem>>)
          tpu.yield
        }) : () -> ()
        "tpu.region"() ({
          %run_scoped3A = tpu.sem_alloc : memref<!tpu.dma_semaphore, #tpu.memory_space<semaphore_mem>>
          %dma_start3A_87 = arith.constant 0 : i32
          %dma_start3A_88 = arith.constant 0 : i32
          %dma_start3A_89 = arith.constant 0 : i32
          %dma_start3A_90 = tpu.memref_slice %arg5[%arg1, %dma_start3A_87, %dma_start3A_88, %dma_start3A_89] : memref<16x5x64x64xi32, #tpu.memory_space<hbm>> -> memref<1x5x64x64xi32, #tpu.memory_space<hbm>>
          %dma_start3A_91 = tpu.memref_squeeze %dma_start3A_90 : memref<1x5x64x64xi32, #tpu.memory_space<hbm>> -> memref<5x64x64xi32, #tpu.memory_space<hbm>>
          %dma_start3A_92 = arith.constant 0 : i32
          %dma_start3A_93 = arith.constant 0 : i32
          %dma_start3A_94 = tpu.memref_slice %dma_start3A_91[%scan3A_34, %dma_start3A_92, %dma_start3A_93] : memref<5x64x64xi32, #tpu.memory_space<hbm>> -> memref<1x64x64xi32, #tpu.memory_space<hbm>>
          %dma_start3A_95 = tpu.memref_squeeze %dma_start3A_94 : memref<1x64x64xi32, #tpu.memory_space<hbm>> -> memref<64x64xi32, #tpu.memory_space<hbm>>
          %dma_start3A_96 = arith.constant 0 : i32
          %dma_start3A_97 = arith.constant 0 : i32
          %dma_start3A_98 = arith.constant 0 : i32
          %dma_start3A_99 = tpu.memref_slice %arg5[%arg1, %dma_start3A_96, %dma_start3A_97, %dma_start3A_98] : memref<16x5x64x64xi32, #tpu.memory_space<hbm>> -> memref<1x5x64x64xi32, #tpu.memory_space<hbm>>
          %dma_start3A_100 = tpu.memref_squeeze %dma_start3A_99 : memref<1x5x64x64xi32, #tpu.memory_space<hbm>> -> memref<5x64x64xi32, #tpu.memory_space<hbm>>
          %dma_start3A_101 = arith.constant 0 : i32
          %dma_start3A_102 = arith.constant 0 : i32
          %dma_start3A_103 = tpu.memref_slice %dma_start3A_100[%scan3A_34, %dma_start3A_101, %dma_start3A_102] : memref<5x64x64xi32, #tpu.memory_space<hbm>> -> memref<1x64x64xi32, #tpu.memory_space<hbm>>
          %dma_start3A_104 = tpu.memref_squeeze %dma_start3A_103 : memref<1x64x64xi32, #tpu.memory_space<hbm>> -> memref<64x64xi32, #tpu.memory_space<hbm>>
          tpu.enqueue_dma source(%dma_start3A_104 : memref<64x64xi32, #tpu.memory_space<hbm>>) target(%arg9 : memref<64x64xi32, #tpu.memory_space<vmem>>) target_semaphore(%run_scoped3A : memref<!tpu.dma_semaphore, #tpu.memory_space<semaphore_mem>>)
          %dma_wait3A_105 = arith.constant 0 : i32
          %dma_wait3A_106 = arith.constant 0 : i32
          %dma_wait3A_107 = arith.constant 0 : i32
          %dma_wait3A_108 = tpu.memref_slice %arg5[%arg1, %dma_wait3A_105, %dma_wait3A_106, %dma_wait3A_107] : memref<16x5x64x64xi32, #tpu.memory_space<hbm>> -> memref<1x5x64x64xi32, #tpu.memory_space<hbm>>
          %dma_wait3A_109 = tpu.memref_squeeze %dma_wait3A_108 : memref<1x5x64x64xi32, #tpu.memory_space<hbm>> -> memref<5x64x64xi32, #tpu.memory_space<hbm>>
          %dma_wait3A_110 = arith.constant 0 : i32
          %dma_wait3A_111 = arith.constant 0 : i32
          %dma_wait3A_112 = tpu.memref_slice %dma_wait3A_109[%scan3A_34, %dma_wait3A_110, %dma_wait3A_111] : memref<5x64x64xi32, #tpu.memory_space<hbm>> -> memref<1x64x64xi32, #tpu.memory_space<hbm>>
          %dma_wait3A_113 = tpu.memref_squeeze %dma_wait3A_112 : memref<1x64x64xi32, #tpu.memory_space<hbm>> -> memref<64x64xi32, #tpu.memory_space<hbm>>
          %dma_wait3A_114 = arith.constant 0 : i32
          %dma_wait3A_115 = arith.constant 0 : i32
          %dma_wait3A_116 = arith.constant 0 : i32
          %dma_wait3A_117 = tpu.memref_slice %arg5[%arg1, %dma_wait3A_114, %dma_wait3A_115, %dma_wait3A_116] : memref<16x5x64x64xi32, #tpu.memory_space<hbm>> -> memref<1x5x64x64xi32, #tpu.memory_space<hbm>>
          %dma_wait3A_118 = tpu.memref_squeeze %dma_wait3A_117 : memref<1x5x64x64xi32, #tpu.memory_space<hbm>> -> memref<5x64x64xi32, #tpu.memory_space<hbm>>
          %dma_wait3A_119 = arith.constant 0 : i32
          %dma_wait3A_120 = arith.constant 0 : i32
          %dma_wait3A_121 = tpu.memref_slice %dma_wait3A_118[%scan3A_34, %dma_wait3A_119, %dma_wait3A_120] : memref<5x64x64xi32, #tpu.memory_space<hbm>> -> memref<1x64x64xi32, #tpu.memory_space<hbm>>
          %dma_wait3A_122 = tpu.memref_squeeze %dma_wait3A_121 : memref<1x64x64xi32, #tpu.memory_space<hbm>> -> memref<64x64xi32, #tpu.memory_space<hbm>>
          tpu.wait_dma2 semaphore(%run_scoped3A : memref<!tpu.dma_semaphore, #tpu.memory_space<semaphore_mem>>) src(%dma_wait3A_122 : memref<64x64xi32, #tpu.memory_space<hbm>>) dst(%arg9 : memref<64x64xi32, #tpu.memory_space<vmem>>)
          tpu.yield
        }) : () -> ()
        %dma_start3A = arith.constant 0 : i32
        %dma_start3A_35 = arith.constant 0 : i32
        %dma_start3A_36 = tpu.memref_slice %arg8[%dma_start3A, %dma_start3A_35] : memref<64x64xi32, #tpu.memory_space<vmem>> -> memref<1x64xi32, #tpu.memory_space<vmem>>
        %dma_start3A_37 = tpu.memref_squeeze %dma_start3A_36 : memref<1x64xi32, #tpu.memory_space<vmem>> -> memref<64xi32, #tpu.memory_space<vmem>>
        %dma_start3A_38 = arith.constant 0 : i32
        %dma_start3A_39 = arith.constant 0 : i32
        %dma_start3A_40 = tpu.memref_slice %arg2[%dma_start3A_38, %dma_start3A_39] : memref<10000x128xf32, #tpu.memory_space<hbm>> -> memref<10000x128xf32, #tpu.memory_space<hbm>>
        tpu.enqueue_indirect_dma source(%dma_start3A_40 : memref<10000x128xf32, #tpu.memory_space<hbm>>) target(%arg10 : memref<64x128xf32, #tpu.memory_space<vmem>>) offsets(%dma_start3A_37 : memref<64xi32, #tpu.memory_space<vmem>>) semaphore(%arg15 : memref<!tpu.dma_semaphore, #tpu.memory_space<semaphore_mem>>)
        %dma_start3A_41 = arith.constant 1 : i32
        %dma_start3A_42 = arith.constant 0 : i32
        %dma_start3A_43 = tpu.memref_slice %arg8[%dma_start3A_41, %dma_start3A_42] : memref<64x64xi32, #tpu.memory_space<vmem>> -> memref<1x64xi32, #tpu.memory_space<vmem>>
        %dma_start3A_44 = tpu.memref_squeeze %dma_start3A_43 : memref<1x64xi32, #tpu.memory_space<vmem>> -> memref<64xi32, #tpu.memory_space<vmem>>
        %dma_start3A_45 = arith.constant 0 : i32
        %dma_start3A_46 = arith.constant 0 : i32
        %dma_start3A_47 = tpu.memref_slice %arg2[%dma_start3A_45, %dma_start3A_46] : memref<10000x128xf32, #tpu.memory_space<hbm>> -> memref<10000x128xf32, #tpu.memory_space<hbm>>
        tpu.enqueue_indirect_dma source(%dma_start3A_47 : memref<10000x128xf32, #tpu.memory_space<hbm>>) target(%arg11 : memref<64x128xf32, #tpu.memory_space<vmem>>) offsets(%dma_start3A_44 : memref<64xi32, #tpu.memory_space<vmem>>) semaphore(%arg16 : memref<!tpu.dma_semaphore, #tpu.memory_space<semaphore_mem>>)
        %dma_start3A_48 = arith.constant 2 : i32
        %dma_start3A_49 = arith.constant 0 : i32
        %dma_start3A_50 = tpu.memref_slice %arg8[%dma_start3A_48, %dma_start3A_49] : memref<64x64xi32, #tpu.memory_space<vmem>> -> memref<1x64xi32, #tpu.memory_space<vmem>>
        %dma_start3A_51 = tpu.memref_squeeze %dma_start3A_50 : memref<1x64xi32, #tpu.memory_space<vmem>> -> memref<64xi32, #tpu.memory_space<vmem>>
        %dma_start3A_52 = arith.constant 0 : i32
        %dma_start3A_53 = arith.constant 0 : i32
        %dma_start3A_54 = tpu.memref_slice %arg2[%dma_start3A_52, %dma_start3A_53] : memref<10000x128xf32, #tpu.memory_space<hbm>> -> memref<10000x128xf32, #tpu.memory_space<hbm>>
        tpu.enqueue_indirect_dma source(%dma_start3A_54 : memref<10000x128xf32, #tpu.memory_space<hbm>>) target(%arg12 : memref<64x128xf32, #tpu.memory_space<vmem>>) offsets(%dma_start3A_51 : memref<64xi32, #tpu.memory_space<vmem>>) semaphore(%arg17 : memref<!tpu.dma_semaphore, #tpu.memory_space<semaphore_mem>>)
        %scan3A_55 = arith.constant 0 : i32
        %scan3A_56 = arith.constant 16 : i32
        %scan3A_57 = arith.addi %scan3A_55, %scan3A_56 : i32
        %scan3A_58 = arith.constant 1 : i32
        scf.for %scan3A_87 = %scan3A_55 to %scan3A_57 step %scan3A_58  : i32 {
          %mul3A = arith.constant 4 : i32
          %mul3A_88 = arith.muli %mul3A, %scan3A_87 : i32
          %add3A = arith.constant 0 : i32
          %add3A_89 = arith.addi %mul3A_88, %add3A : i32
          %dma_wait3A_90 = arith.constant 0 : i32
          %dma_wait3A_91 = tpu.memref_slice %arg8[%add3A_89, %dma_wait3A_90] : memref<64x64xi32, #tpu.memory_space<vmem>> -> memref<1x64xi32, #tpu.memory_space<vmem>>
          %dma_wait3A_92 = tpu.memref_squeeze %dma_wait3A_91 : memref<1x64xi32, #tpu.memory_space<vmem>> -> memref<64xi32, #tpu.memory_space<vmem>>
          %dma_wait3A_93 = arith.constant 0 : i32
          %dma_wait3A_94 = arith.constant 0 : i32
          %dma_wait3A_95 = tpu.memref_slice %arg2[%dma_wait3A_93, %dma_wait3A_94] : memref<10000x128xf32, #tpu.memory_space<hbm>> -> memref<10000x128xf32, #tpu.memory_space<hbm>>
          tpu.wait_indirect_dma semaphore(%arg15 : memref<!tpu.dma_semaphore, #tpu.memory_space<semaphore_mem>>) src(%dma_wait3A_95 : memref<10000x128xf32, #tpu.memory_space<hbm>>) dst(%arg10 : memref<64x128xf32, #tpu.memory_space<vmem>>)
          %dma_start3A_96 = arith.constant 0 : i32
          %dma_start3A_97 = tpu.memref_slice %arg9[%add3A_89, %dma_start3A_96] : memref<64x64xi32, #tpu.memory_space<vmem>> -> memref<1x64xi32, #tpu.memory_space<vmem>>
          %dma_start3A_98 = tpu.memref_squeeze %dma_start3A_97 : memref<1x64xi32, #tpu.memory_space<vmem>> -> memref<64xi32, #tpu.memory_space<vmem>>
          %dma_start3A_99 = arith.constant 0 : i32
          %dma_start3A_100 = arith.constant 0 : i32
          %dma_start3A_101 = tpu.memref_slice %arg14[%dma_start3A_99, %dma_start3A_100] : memref<10008x128xf32, #tpu.memory_space<vmem_shared>> -> memref<10008x128xf32, #tpu.memory_space<vmem_shared>>
          tpu.enqueue_indirect_dma source(%arg10 : memref<64x128xf32, #tpu.memory_space<vmem>>) target(%dma_start3A_101 : memref<10008x128xf32, #tpu.memory_space<vmem_shared>>) offsets(%dma_start3A_98 : memref<64xi32, #tpu.memory_space<vmem>>) semaphore(%arg19 : memref<!tpu.dma_semaphore, #tpu.memory_space<semaphore_mem>>) {add = true}
          %ge3A = arith.constant 1 : i32
          %ge3A_102 = arith.cmpi sge, %scan3A_87, %ge3A : i32
          %convert_element_type3A_103 = arith.extui %ge3A_102 : i1 to i32
          %cond3A_104 = arith.constant 0 : i32
          %cond3A_105 = arith.cmpi ne, %convert_element_type3A_103, %cond3A_104 : i32
          scf.if %cond3A_105 {
            %sub3A = arith.constant 1 : i32
            %sub3A_177 = arith.subi %scan3A_87, %sub3A : i32
            %mul3A_178 = arith.constant 4 : i32
            %mul3A_179 = arith.muli %mul3A_178, %sub3A_177 : i32
            %add3A_180 = arith.constant 3 : i32
            %add3A_181 = arith.addi %mul3A_179, %add3A_180 : i32
            %dma_wait3A_182 = arith.constant 0 : i32
            %dma_wait3A_183 = tpu.memref_slice %arg9[%add3A_181, %dma_wait3A_182] : memref<64x64xi32, #tpu.memory_space<vmem>> -> memref<1x64xi32, #tpu.memory_space<vmem>>
            %dma_wait3A_184 = tpu.memref_squeeze %dma_wait3A_183 : memref<1x64xi32, #tpu.memory_space<vmem>> -> memref<64xi32, #tpu.memory_space<vmem>>
            %dma_wait3A_185 = arith.constant 0 : i32
            %dma_wait3A_186 = arith.constant 0 : i32
            %dma_wait3A_187 = tpu.memref_slice %arg14[%dma_wait3A_185, %dma_wait3A_186] : memref<10008x128xf32, #tpu.memory_space<vmem_shared>> -> memref<10008x128xf32, #tpu.memory_space<vmem_shared>>
            tpu.wait_indirect_dma semaphore(%arg22 : memref<!tpu.dma_semaphore, #tpu.memory_space<semaphore_mem>>) src(%arg13 : memref<64x128xf32, #tpu.memory_space<vmem>>) dst(%dma_wait3A_187 : memref<10008x128xf32, #tpu.memory_space<vmem_shared>>)
          } else {
          }
          %add3A_106 = arith.constant 3 : i32
          %add3A_107 = arith.addi %add3A_89, %add3A_106 : i32
          %dma_start3A_108 = arith.constant 0 : i32
          %dma_start3A_109 = tpu.memref_slice %arg8[%add3A_107, %dma_start3A_108] : memref<64x64xi32, #tpu.memory_space<vmem>> -> memref<1x64xi32, #tpu.memory_space<vmem>>
          %dma_start3A_110 = tpu.memref_squeeze %dma_start3A_109 : memref<1x64xi32, #tpu.memory_space<vmem>> -> memref<64xi32, #tpu.memory_space<vmem>>
          %dma_start3A_111 = arith.constant 0 : i32
          %dma_start3A_112 = arith.constant 0 : i32
          %dma_start3A_113 = tpu.memref_slice %arg2[%dma_start3A_111, %dma_start3A_112] : memref<10000x128xf32, #tpu.memory_space<hbm>> -> memref<10000x128xf32, #tpu.memory_space<hbm>>
          tpu.enqueue_indirect_dma source(%dma_start3A_113 : memref<10000x128xf32, #tpu.memory_space<hbm>>) target(%arg13 : memref<64x128xf32, #tpu.memory_space<vmem>>) offsets(%dma_start3A_110 : memref<64xi32, #tpu.memory_space<vmem>>) semaphore(%arg18 : memref<!tpu.dma_semaphore, #tpu.memory_space<semaphore_mem>>)
          %mul3A_114 = arith.constant 4 : i32
          %mul3A_115 = arith.muli %mul3A_114, %scan3A_87 : i32
          %add3A_116 = arith.constant 1 : i32
          %add3A_117 = arith.addi %mul3A_115, %add3A_116 : i32
          %dma_wait3A_118 = arith.constant 0 : i32
          %dma_wait3A_119 = tpu.memref_slice %arg8[%add3A_117, %dma_wait3A_118] : memref<64x64xi32, #tpu.memory_space<vmem>> -> memref<1x64xi32, #tpu.memory_space<vmem>>
          %dma_wait3A_120 = tpu.memref_squeeze %dma_wait3A_119 : memref<1x64xi32, #tpu.memory_space<vmem>> -> memref<64xi32, #tpu.memory_space<vmem>>
          %dma_wait3A_121 = arith.constant 0 : i32
          %dma_wait3A_122 = arith.constant 0 : i32
          %dma_wait3A_123 = tpu.memref_slice %arg2[%dma_wait3A_121, %dma_wait3A_122] : memref<10000x128xf32, #tpu.memory_space<hbm>> -> memref<10000x128xf32, #tpu.memory_space<hbm>>
          tpu.wait_indirect_dma semaphore(%arg16 : memref<!tpu.dma_semaphore, #tpu.memory_space<semaphore_mem>>) src(%dma_wait3A_123 : memref<10000x128xf32, #tpu.memory_space<hbm>>) dst(%arg11 : memref<64x128xf32, #tpu.memory_space<vmem>>)
          %dma_start3A_124 = arith.constant 0 : i32
          %dma_start3A_125 = tpu.memref_slice %arg9[%add3A_117, %dma_start3A_124] : memref<64x64xi32, #tpu.memory_space<vmem>> -> memref<1x64xi32, #tpu.memory_space<vmem>>
          %dma_start3A_126 = tpu.memref_squeeze %dma_start3A_125 : memref<1x64xi32, #tpu.memory_space<vmem>> -> memref<64xi32, #tpu.memory_space<vmem>>
          %dma_start3A_127 = arith.constant 0 : i32
          %dma_start3A_128 = arith.constant 0 : i32
          %dma_start3A_129 = tpu.memref_slice %arg14[%dma_start3A_127, %dma_start3A_128] : memref<10008x128xf32, #tpu.memory_space<vmem_shared>> -> memref<10008x128xf32, #tpu.memory_space<vmem_shared>>
          tpu.enqueue_indirect_dma source(%arg11 : memref<64x128xf32, #tpu.memory_space<vmem>>) target(%dma_start3A_129 : memref<10008x128xf32, #tpu.memory_space<vmem_shared>>) offsets(%dma_start3A_126 : memref<64xi32, #tpu.memory_space<vmem>>) semaphore(%arg20 : memref<!tpu.dma_semaphore, #tpu.memory_space<semaphore_mem>>) {add = true}
          %lt3A_130 = arith.constant 15 : i32
          %lt3A_131 = arith.cmpi slt, %scan3A_87, %lt3A_130 : i32
          %convert_element_type3A_132 = arith.extui %lt3A_131 : i1 to i32
          %cond3A_133 = arith.constant 0 : i32
          %cond3A_134 = arith.cmpi ne, %convert_element_type3A_132, %cond3A_133 : i32
          scf.if %cond3A_134 {
            %mul3A_177 = arith.constant 4 : i32
            %mul3A_178 = arith.muli %mul3A_177, %scan3A_87 : i32
            %add3A_179 = arith.constant 0 : i32
            %add3A_180 = arith.addi %mul3A_178, %add3A_179 : i32
            %dma_wait3A_181 = arith.constant 0 : i32
            %dma_wait3A_182 = tpu.memref_slice %arg9[%add3A_180, %dma_wait3A_181] : memref<64x64xi32, #tpu.memory_space<vmem>> -> memref<1x64xi32, #tpu.memory_space<vmem>>
            %dma_wait3A_183 = tpu.memref_squeeze %dma_wait3A_182 : memref<1x64xi32, #tpu.memory_space<vmem>> -> memref<64xi32, #tpu.memory_space<vmem>>
            %dma_wait3A_184 = arith.constant 0 : i32
            %dma_wait3A_185 = arith.constant 0 : i32
            %dma_wait3A_186 = tpu.memref_slice %arg14[%dma_wait3A_184, %dma_wait3A_185] : memref<10008x128xf32, #tpu.memory_space<vmem_shared>> -> memref<10008x128xf32, #tpu.memory_space<vmem_shared>>
            tpu.wait_indirect_dma semaphore(%arg19 : memref<!tpu.dma_semaphore, #tpu.memory_space<semaphore_mem>>) src(%arg10 : memref<64x128xf32, #tpu.memory_space<vmem>>) dst(%dma_wait3A_186 : memref<10008x128xf32, #tpu.memory_space<vmem_shared>>)
            %add3A_187 = arith.constant 3 : i32
            %add3A_188 = arith.addi %add3A_117, %add3A_187 : i32
            %dma_start3A_189 = arith.constant 0 : i32
            %dma_start3A_190 = tpu.memref_slice %arg8[%add3A_188, %dma_start3A_189] : memref<64x64xi32, #tpu.memory_space<vmem>> -> memref<1x64xi32, #tpu.memory_space<vmem>>
            %dma_start3A_191 = tpu.memref_squeeze %dma_start3A_190 : memref<1x64xi32, #tpu.memory_space<vmem>> -> memref<64xi32, #tpu.memory_space<vmem>>
            %dma_start3A_192 = arith.constant 0 : i32
            %dma_start3A_193 = arith.constant 0 : i32
            %dma_start3A_194 = tpu.memref_slice %arg2[%dma_start3A_192, %dma_start3A_193] : memref<10000x128xf32, #tpu.memory_space<hbm>> -> memref<10000x128xf32, #tpu.memory_space<hbm>>
            tpu.enqueue_indirect_dma source(%dma_start3A_194 : memref<10000x128xf32, #tpu.memory_space<hbm>>) target(%arg10 : memref<64x128xf32, #tpu.memory_space<vmem>>) offsets(%dma_start3A_191 : memref<64xi32, #tpu.memory_space<vmem>>) semaphore(%arg15 : memref<!tpu.dma_semaphore, #tpu.memory_space<semaphore_mem>>)
          } else {
          }
          %mul3A_135 = arith.constant 4 : i32
          %mul3A_136 = arith.muli %mul3A_135, %scan3A_87 : i32
          %add3A_137 = arith.constant 2 : i32
          %add3A_138 = arith.addi %mul3A_136, %add3A_137 : i32
          %dma_wait3A_139 = arith.constant 0 : i32
          %dma_wait3A_140 = tpu.memref_slice %arg8[%add3A_138, %dma_wait3A_139] : memref<64x64xi32, #tpu.memory_space<vmem>> -> memref<1x64xi32, #tpu.memory_space<vmem>>
          %dma_wait3A_141 = tpu.memref_squeeze %dma_wait3A_140 : memref<1x64xi32, #tpu.memory_space<vmem>> -> memref<64xi32, #tpu.memory_space<vmem>>
          %dma_wait3A_142 = arith.constant 0 : i32
          %dma_wait3A_143 = arith.constant 0 : i32
          %dma_wait3A_144 = tpu.memref_slice %arg2[%dma_wait3A_142, %dma_wait3A_143] : memref<10000x128xf32, #tpu.memory_space<hbm>> -> memref<10000x128xf32, #tpu.memory_space<hbm>>
          tpu.wait_indirect_dma semaphore(%arg17 : memref<!tpu.dma_semaphore, #tpu.memory_space<semaphore_mem>>) src(%dma_wait3A_144 : memref<10000x128xf32, #tpu.memory_space<hbm>>) dst(%arg12 : memref<64x128xf32, #tpu.memory_space<vmem>>)
          %dma_start3A_145 = arith.constant 0 : i32
          %dma_start3A_146 = tpu.memref_slice %arg9[%add3A_138, %dma_start3A_145] : memref<64x64xi32, #tpu.memory_space<vmem>> -> memref<1x64xi32, #tpu.memory_space<vmem>>
          %dma_start3A_147 = tpu.memref_squeeze %dma_start3A_146 : memref<1x64xi32, #tpu.memory_space<vmem>> -> memref<64xi32, #tpu.memory_space<vmem>>
          %dma_start3A_148 = arith.constant 0 : i32
          %dma_start3A_149 = arith.constant 0 : i32
          %dma_start3A_150 = tpu.memref_slice %arg14[%dma_start3A_148, %dma_start3A_149] : memref<10008x128xf32, #tpu.memory_space<vmem_shared>> -> memref<10008x128xf32, #tpu.memory_space<vmem_shared>>
          tpu.enqueue_indirect_dma source(%arg12 : memref<64x128xf32, #tpu.memory_space<vmem>>) target(%dma_start3A_150 : memref<10008x128xf32, #tpu.memory_space<vmem_shared>>) offsets(%dma_start3A_147 : memref<64xi32, #tpu.memory_space<vmem>>) semaphore(%arg21 : memref<!tpu.dma_semaphore, #tpu.memory_space<semaphore_mem>>) {add = true}
          %lt3A_151 = arith.constant 15 : i32
          %lt3A_152 = arith.cmpi slt, %scan3A_87, %lt3A_151 : i32
          %convert_element_type3A_153 = arith.extui %lt3A_152 : i1 to i32
          %cond3A_154 = arith.constant 0 : i32
          %cond3A_155 = arith.cmpi ne, %convert_element_type3A_153, %cond3A_154 : i32
          scf.if %cond3A_155 {
            %mul3A_177 = arith.constant 4 : i32
            %mul3A_178 = arith.muli %mul3A_177, %scan3A_87 : i32
            %add3A_179 = arith.constant 1 : i32
            %add3A_180 = arith.addi %mul3A_178, %add3A_179 : i32
            %dma_wait3A_181 = arith.constant 0 : i32
            %dma_wait3A_182 = tpu.memref_slice %arg9[%add3A_180, %dma_wait3A_181] : memref<64x64xi32, #tpu.memory_space<vmem>> -> memref<1x64xi32, #tpu.memory_space<vmem>>
            %dma_wait3A_183 = tpu.memref_squeeze %dma_wait3A_182 : memref<1x64xi32, #tpu.memory_space<vmem>> -> memref<64xi32, #tpu.memory_space<vmem>>
            %dma_wait3A_184 = arith.constant 0 : i32
            %dma_wait3A_185 = arith.constant 0 : i32
            %dma_wait3A_186 = tpu.memref_slice %arg14[%dma_wait3A_184, %dma_wait3A_185] : memref<10008x128xf32, #tpu.memory_space<vmem_shared>> -> memref<10008x128xf32, #tpu.memory_space<vmem_shared>>
            tpu.wait_indirect_dma semaphore(%arg20 : memref<!tpu.dma_semaphore, #tpu.memory_space<semaphore_mem>>) src(%arg11 : memref<64x128xf32, #tpu.memory_space<vmem>>) dst(%dma_wait3A_186 : memref<10008x128xf32, #tpu.memory_space<vmem_shared>>)
            %add3A_187 = arith.constant 3 : i32
            %add3A_188 = arith.addi %add3A_138, %add3A_187 : i32
            %dma_start3A_189 = arith.constant 0 : i32
            %dma_start3A_190 = tpu.memref_slice %arg8[%add3A_188, %dma_start3A_189] : memref<64x64xi32, #tpu.memory_space<vmem>> -> memref<1x64xi32, #tpu.memory_space<vmem>>
            %dma_start3A_191 = tpu.memref_squeeze %dma_start3A_190 : memref<1x64xi32, #tpu.memory_space<vmem>> -> memref<64xi32, #tpu.memory_space<vmem>>
            %dma_start3A_192 = arith.constant 0 : i32
            %dma_start3A_193 = arith.constant 0 : i32
            %dma_start3A_194 = tpu.memref_slice %arg2[%dma_start3A_192, %dma_start3A_193] : memref<10000x128xf32, #tpu.memory_space<hbm>> -> memref<10000x128xf32, #tpu.memory_space<hbm>>
            tpu.enqueue_indirect_dma source(%dma_start3A_194 : memref<10000x128xf32, #tpu.memory_space<hbm>>) target(%arg11 : memref<64x128xf32, #tpu.memory_space<vmem>>) offsets(%dma_start3A_191 : memref<64xi32, #tpu.memory_space<vmem>>) semaphore(%arg16 : memref<!tpu.dma_semaphore, #tpu.memory_space<semaphore_mem>>)
          } else {
          }
          %mul3A_156 = arith.constant 4 : i32
          %mul3A_157 = arith.muli %mul3A_156, %scan3A_87 : i32
          %add3A_158 = arith.constant 3 : i32
          %add3A_159 = arith.addi %mul3A_157, %add3A_158 : i32
          %dma_wait3A_160 = arith.constant 0 : i32
          %dma_wait3A_161 = tpu.memref_slice %arg8[%add3A_159, %dma_wait3A_160] : memref<64x64xi32, #tpu.memory_space<vmem>> -> memref<1x64xi32, #tpu.memory_space<vmem>>
          %dma_wait3A_162 = tpu.memref_squeeze %dma_wait3A_161 : memref<1x64xi32, #tpu.memory_space<vmem>> -> memref<64xi32, #tpu.memory_space<vmem>>
          %dma_wait3A_163 = arith.constant 0 : i32
          %dma_wait3A_164 = arith.constant 0 : i32
          %dma_wait3A_165 = tpu.memref_slice %arg2[%dma_wait3A_163, %dma_wait3A_164] : memref<10000x128xf32, #tpu.memory_space<hbm>> -> memref<10000x128xf32, #tpu.memory_space<hbm>>
          tpu.wait_indirect_dma semaphore(%arg18 : memref<!tpu.dma_semaphore, #tpu.memory_space<semaphore_mem>>) src(%dma_wait3A_165 : memref<10000x128xf32, #tpu.memory_space<hbm>>) dst(%arg13 : memref<64x128xf32, #tpu.memory_space<vmem>>)
          %dma_start3A_166 = arith.constant 0 : i32
          %dma_start3A_167 = tpu.memref_slice %arg9[%add3A_159, %dma_start3A_166] : memref<64x64xi32, #tpu.memory_space<vmem>> -> memref<1x64xi32, #tpu.memory_space<vmem>>
          %dma_start3A_168 = tpu.memref_squeeze %dma_start3A_167 : memref<1x64xi32, #tpu.memory_space<vmem>> -> memref<64xi32, #tpu.memory_space<vmem>>
          %dma_start3A_169 = arith.constant 0 : i32
          %dma_start3A_170 = arith.constant 0 : i32
          %dma_start3A_171 = tpu.memref_slice %arg14[%dma_start3A_169, %dma_start3A_170] : memref<10008x128xf32, #tpu.memory_space<vmem_shared>> -> memref<10008x128xf32, #tpu.memory_space<vmem_shared>>
          tpu.enqueue_indirect_dma source(%arg13 : memref<64x128xf32, #tpu.memory_space<vmem>>) target(%dma_start3A_171 : memref<10008x128xf32, #tpu.memory_space<vmem_shared>>) offsets(%dma_start3A_168 : memref<64xi32, #tpu.memory_space<vmem>>) semaphore(%arg22 : memref<!tpu.dma_semaphore, #tpu.memory_space<semaphore_mem>>) {add = true}
          %lt3A_172 = arith.constant 15 : i32
          %lt3A_173 = arith.cmpi slt, %scan3A_87, %lt3A_172 : i32
          %convert_element_type3A_174 = arith.extui %lt3A_173 : i1 to i32
          %cond3A_175 = arith.constant 0 : i32
          %cond3A_176 = arith.cmpi ne, %convert_element_type3A_174, %cond3A_175 : i32
          scf.if %cond3A_176 {
            %mul3A_177 = arith.constant 4 : i32
            %mul3A_178 = arith.muli %mul3A_177, %scan3A_87 : i32
            %add3A_179 = arith.constant 2 : i32
            %add3A_180 = arith.addi %mul3A_178, %add3A_179 : i32
            %dma_wait3A_181 = arith.constant 0 : i32
            %dma_wait3A_182 = tpu.memref_slice %arg9[%add3A_180, %dma_wait3A_181] : memref<64x64xi32, #tpu.memory_space<vmem>> -> memref<1x64xi32, #tpu.memory_space<vmem>>
            %dma_wait3A_183 = tpu.memref_squeeze %dma_wait3A_182 : memref<1x64xi32, #tpu.memory_space<vmem>> -> memref<64xi32, #tpu.memory_space<vmem>>
            %dma_wait3A_184 = arith.constant 0 : i32
            %dma_wait3A_185 = arith.constant 0 : i32
            %dma_wait3A_186 = tpu.memref_slice %arg14[%dma_wait3A_184, %dma_wait3A_185] : memref<10008x128xf32, #tpu.memory_space<vmem_shared>> -> memref<10008x128xf32, #tpu.memory_space<vmem_shared>>
            tpu.wait_indirect_dma semaphore(%arg21 : memref<!tpu.dma_semaphore, #tpu.memory_space<semaphore_mem>>) src(%arg12 : memref<64x128xf32, #tpu.memory_space<vmem>>) dst(%dma_wait3A_186 : memref<10008x128xf32, #tpu.memory_space<vmem_shared>>)
            %add3A_187 = arith.constant 3 : i32
            %add3A_188 = arith.addi %add3A_159, %add3A_187 : i32
            %dma_start3A_189 = arith.constant 0 : i32
            %dma_start3A_190 = tpu.memref_slice %arg8[%add3A_188, %dma_start3A_189] : memref<64x64xi32, #tpu.memory_space<vmem>> -> memref<1x64xi32, #tpu.memory_space<vmem>>
            %dma_start3A_191 = tpu.memref_squeeze %dma_start3A_190 : memref<1x64xi32, #tpu.memory_space<vmem>> -> memref<64xi32, #tpu.memory_space<vmem>>
            %dma_start3A_192 = arith.constant 0 : i32
            %dma_start3A_193 = arith.constant 0 : i32
            %dma_start3A_194 = tpu.memref_slice %arg2[%dma_start3A_192, %dma_start3A_193] : memref<10000x128xf32, #tpu.memory_space<hbm>> -> memref<10000x128xf32, #tpu.memory_space<hbm>>
            tpu.enqueue_indirect_dma source(%dma_start3A_194 : memref<10000x128xf32, #tpu.memory_space<hbm>>) target(%arg12 : memref<64x128xf32, #tpu.memory_space<vmem>>) offsets(%dma_start3A_191 : memref<64xi32, #tpu.memory_space<vmem>>) semaphore(%arg17 : memref<!tpu.dma_semaphore, #tpu.memory_space<semaphore_mem>>)
          } else {
          }
        }
        %scan3A_59 = arith.constant 16 : i32
        %dma_wait3A = arith.constant 60 : i32
        %dma_wait3A_60 = arith.constant 0 : i32
        %dma_wait3A_61 = tpu.memref_slice %arg9[%dma_wait3A, %dma_wait3A_60] : memref<64x64xi32, #tpu.memory_space<vmem>> -> memref<1x64xi32, #tpu.memory_space<vmem>>
        %dma_wait3A_62 = tpu.memref_squeeze %dma_wait3A_61 : memref<1x64xi32, #tpu.memory_space<vmem>> -> memref<64xi32, #tpu.memory_space<vmem>>
        %dma_wait3A_63 = arith.constant 0 : i32
        %dma_wait3A_64 = arith.constant 0 : i32
        %dma_wait3A_65 = tpu.memref_slice %arg14[%dma_wait3A_63, %dma_wait3A_64] : memref<10008x128xf32, #tpu.memory_space<vmem_shared>> -> memref<10008x128xf32, #tpu.memory_space<vmem_shared>>
        tpu.wait_indirect_dma semaphore(%arg19 : memref<!tpu.dma_semaphore, #tpu.memory_space<semaphore_mem>>) src(%arg10 : memref<64x128xf32, #tpu.memory_space<vmem>>) dst(%dma_wait3A_65 : memref<10008x128xf32, #tpu.memory_space<vmem_shared>>)
        %dma_wait3A_66 = arith.constant 61 : i32
        %dma_wait3A_67 = arith.constant 0 : i32
        %dma_wait3A_68 = tpu.memref_slice %arg9[%dma_wait3A_66, %dma_wait3A_67] : memref<64x64xi32, #tpu.memory_space<vmem>> -> memref<1x64xi32, #tpu.memory_space<vmem>>
        %dma_wait3A_69 = tpu.memref_squeeze %dma_wait3A_68 : memref<1x64xi32, #tpu.memory_space<vmem>> -> memref<64xi32, #tpu.memory_space<vmem>>
        %dma_wait3A_70 = arith.constant 0 : i32
        %dma_wait3A_71 = arith.constant 0 : i32
        %dma_wait3A_72 = tpu.memref_slice %arg14[%dma_wait3A_70, %dma_wait3A_71] : memref<10008x128xf32, #tpu.memory_space<vmem_shared>> -> memref<10008x128xf32, #tpu.memory_space<vmem_shared>>
        tpu.wait_indirect_dma semaphore(%arg20 : memref<!tpu.dma_semaphore, #tpu.memory_space<semaphore_mem>>) src(%arg11 : memref<64x128xf32, #tpu.memory_space<vmem>>) dst(%dma_wait3A_72 : memref<10008x128xf32, #tpu.memory_space<vmem_shared>>)
        %dma_wait3A_73 = arith.constant 62 : i32
        %dma_wait3A_74 = arith.constant 0 : i32
        %dma_wait3A_75 = tpu.memref_slice %arg9[%dma_wait3A_73, %dma_wait3A_74] : memref<64x64xi32, #tpu.memory_space<vmem>> -> memref<1x64xi32, #tpu.memory_space<vmem>>
        %dma_wait3A_76 = tpu.memref_squeeze %dma_wait3A_75 : memref<1x64xi32, #tpu.memory_space<vmem>> -> memref<64xi32, #tpu.memory_space<vmem>>
        %dma_wait3A_77 = arith.constant 0 : i32
        %dma_wait3A_78 = arith.constant 0 : i32
        %dma_wait3A_79 = tpu.memref_slice %arg14[%dma_wait3A_77, %dma_wait3A_78] : memref<10008x128xf32, #tpu.memory_space<vmem_shared>> -> memref<10008x128xf32, #tpu.memory_space<vmem_shared>>
        tpu.wait_indirect_dma semaphore(%arg21 : memref<!tpu.dma_semaphore, #tpu.memory_space<semaphore_mem>>) src(%arg12 : memref<64x128xf32, #tpu.memory_space<vmem>>) dst(%dma_wait3A_79 : memref<10008x128xf32, #tpu.memory_space<vmem_shared>>)
        %dma_wait3A_80 = arith.constant 63 : i32
        %dma_wait3A_81 = arith.constant 0 : i32
        %dma_wait3A_82 = tpu.memref_slice %arg9[%dma_wait3A_80, %dma_wait3A_81] : memref<64x64xi32, #tpu.memory_space<vmem>> -> memref<1x64xi32, #tpu.memory_space<vmem>>
        %dma_wait3A_83 = tpu.memref_squeeze %dma_wait3A_82 : memref<1x64xi32, #tpu.memory_space<vmem>> -> memref<64xi32, #tpu.memory_space<vmem>>
        %dma_wait3A_84 = arith.constant 0 : i32
        %dma_wait3A_85 = arith.constant 0 : i32
        %dma_wait3A_86 = tpu.memref_slice %arg14[%dma_wait3A_84, %dma_wait3A_85] : memref<10008x128xf32, #tpu.memory_space<vmem_shared>> -> memref<10008x128xf32, #tpu.memory_space<vmem_shared>>
        tpu.wait_indirect_dma semaphore(%arg22 : memref<!tpu.dma_semaphore, #tpu.memory_space<semaphore_mem>>) src(%arg13 : memref<64x128xf32, #tpu.memory_space<vmem>>) dst(%dma_wait3A_86 : memref<10008x128xf32, #tpu.memory_space<vmem_shared>>)
      }
      %scan3A_20 = arith.constant 5 : i32
      %barrier3A_21 = arith.constant 0 : index
      tpu.barrier barrier_id(%barrier3A_21)
      %lt3A_22 = arith.constant 15 : i32
      %lt3A_23 = arith.cmpi slt, %arg1, %lt3A_22 : i32
      %convert_element_type3A_24 = arith.extui %lt3A_23 : i1 to i32
      %cond3A_25 = arith.constant 0 : i32
      %cond3A_26 = arith.constant 0 : i32
      %cond3A_27 = arith.cmpi ne, %convert_element_type3A_24, %cond3A_26 : i32
      scf.if %cond3A_27 {
        %mul3A = arith.constant 632 : i32
        %mul3A_34 = arith.muli %arg1, %mul3A : i32
        %mul3A_35 = arith.constant 632 : i32
        %mul3A_36 = arith.muli %arg1, %mul3A_35 : i32
        "tpu.region"() ({
          %run_scoped3A = tpu.sem_alloc : memref<!tpu.dma_semaphore, #tpu.memory_space<semaphore_mem>>
          %dma_start3A = arith.constant 0 : i32
          %dma_start3A_37 = arith.constant 0 : i32
          %dma_start3A_38 = tpu.memref_slice %arg7[%cond3A_25, %dma_start3A, %dma_start3A_37] : memref<2x10000x128xf32, #tpu.memory_space<hbm>> -> memref<1x10000x128xf32, #tpu.memory_space<hbm>>
          %dma_start3A_39 = tpu.memref_squeeze %dma_start3A_38 : memref<1x10000x128xf32, #tpu.memory_space<hbm>> -> memref<10000x128xf32, #tpu.memory_space<hbm>>
          %dma_start3A_40 = arith.constant 0 : i32
          %dma_start3A_41 = tpu.memref_slice %dma_start3A_39[%mul3A_36, %dma_start3A_40] : memref<10000x128xf32, #tpu.memory_space<hbm>> -> memref<632x128xf32, #tpu.memory_space<hbm>>
          %dma_start3A_42 = arith.constant 0 : i32
          %dma_start3A_43 = tpu.memref_slice %arg14[%mul3A_34, %dma_start3A_42] : memref<10008x128xf32, #tpu.memory_space<vmem_shared>> -> memref<632x128xf32, #tpu.memory_space<vmem_shared>>
          tpu.enqueue_dma source(%dma_start3A_43 : memref<632x128xf32, #tpu.memory_space<vmem_shared>>) target(%dma_start3A_41 : memref<632x128xf32, #tpu.memory_space<hbm>>) target_semaphore(%run_scoped3A : memref<!tpu.dma_semaphore, #tpu.memory_space<semaphore_mem>>)
          %dma_wait3A = arith.constant 0 : i32
          %dma_wait3A_44 = arith.constant 0 : i32
          %dma_wait3A_45 = tpu.memref_slice %arg7[%cond3A_25, %dma_wait3A, %dma_wait3A_44] : memref<2x10000x128xf32, #tpu.memory_space<hbm>> -> memref<1x10000x128xf32, #tpu.memory_space<hbm>>
          %dma_wait3A_46 = tpu.memref_squeeze %dma_wait3A_45 : memref<1x10000x128xf32, #tpu.memory_space<hbm>> -> memref<10000x128xf32, #tpu.memory_space<hbm>>
          %dma_wait3A_47 = arith.constant 0 : i32
          %dma_wait3A_48 = tpu.memref_slice %dma_wait3A_46[%mul3A_36, %dma_wait3A_47] : memref<10000x128xf32, #tpu.memory_space<hbm>> -> memref<632x128xf32, #tpu.memory_space<hbm>>
          %dma_wait3A_49 = arith.constant 0 : i32
          %dma_wait3A_50 = tpu.memref_slice %arg14[%mul3A_34, %dma_wait3A_49] : memref<10008x128xf32, #tpu.memory_space<vmem_shared>> -> memref<632x128xf32, #tpu.memory_space<vmem_shared>>
          tpu.wait_dma2 semaphore(%run_scoped3A : memref<!tpu.dma_semaphore, #tpu.memory_space<semaphore_mem>>) src(%dma_wait3A_50 : memref<632x128xf32, #tpu.memory_space<vmem_shared>>) dst(%dma_wait3A_48 : memref<632x128xf32, #tpu.memory_space<hbm>>)
          tpu.yield
        }) : () -> ()
      } else {
      }
      %eq3A_28 = arith.constant 15 : i32
      %eq3A_29 = arith.cmpi eq, %arg1, %eq3A_28 : i32
      %convert_element_type3A_30 = arith.extui %eq3A_29 : i1 to i32
      %cond3A_31 = arith.constant 0 : i32
      %cond3A_32 = arith.constant 0 : i32
      %cond3A_33 = arith.cmpi ne, %convert_element_type3A_30, %cond3A_32 : i32
      scf.if %cond3A_33 {
        "tpu.region"() ({
          %run_scoped3A = tpu.sem_alloc : memref<!tpu.dma_semaphore, #tpu.memory_space<semaphore_mem>>
          %dma_start3A = arith.constant 0 : i32
          %dma_start3A_34 = arith.constant 0 : i32
          %dma_start3A_35 = tpu.memref_slice %arg7[%cond3A_31, %dma_start3A, %dma_start3A_34] : memref<2x10000x128xf32, #tpu.memory_space<hbm>> -> memref<1x10000x128xf32, #tpu.memory_space<hbm>>
          %dma_start3A_36 = tpu.memref_squeeze %dma_start3A_35 : memref<1x10000x128xf32, #tpu.memory_space<hbm>> -> memref<10000x128xf32, #tpu.memory_space<hbm>>
          %dma_start3A_37 = arith.constant 9480 : i32
          %dma_start3A_38 = arith.constant 0 : i32
          %dma_start3A_39 = tpu.memref_slice %dma_start3A_36[%dma_start3A_37, %dma_start3A_38] : memref<10000x128xf32, #tpu.memory_space<hbm>> -> memref<520x128xf32, #tpu.memory_space<hbm>>
          %dma_start3A_40 = arith.constant 9480 : i32
          %dma_start3A_41 = arith.constant 0 : i32
          %dma_start3A_42 = tpu.memref_slice %arg14[%dma_start3A_40, %dma_start3A_41] : memref<10008x128xf32, #tpu.memory_space<vmem_shared>> -> memref<520x128xf32, #tpu.memory_space<vmem_shared>>
          tpu.enqueue_dma source(%dma_start3A_42 : memref<520x128xf32, #tpu.memory_space<vmem_shared>>) target(%dma_start3A_39 : memref<520x128xf32, #tpu.memory_space<hbm>>) target_semaphore(%run_scoped3A : memref<!tpu.dma_semaphore, #tpu.memory_space<semaphore_mem>>)
          %dma_wait3A = arith.constant 0 : i32
          %dma_wait3A_43 = arith.constant 0 : i32
          %dma_wait3A_44 = tpu.memref_slice %arg7[%cond3A_31, %dma_wait3A, %dma_wait3A_43] : memref<2x10000x128xf32, #tpu.memory_space<hbm>> -> memref<1x10000x128xf32, #tpu.memory_space<hbm>>
          %dma_wait3A_45 = tpu.memref_squeeze %dma_wait3A_44 : memref<1x10000x128xf32, #tpu.memory_space<hbm>> -> memref<10000x128xf32, #tpu.memory_space<hbm>>
          %dma_wait3A_46 = arith.constant 9480 : i32
          %dma_wait3A_47 = arith.constant 0 : i32
          %dma_wait3A_48 = tpu.memref_slice %dma_wait3A_45[%dma_wait3A_46, %dma_wait3A_47] : memref<10000x128xf32, #tpu.memory_space<hbm>> -> memref<520x128xf32, #tpu.memory_space<hbm>>
          %dma_wait3A_49 = arith.constant 9480 : i32
          %dma_wait3A_50 = arith.constant 0 : i32
          %dma_wait3A_51 = tpu.memref_slice %arg14[%dma_wait3A_49, %dma_wait3A_50] : memref<10008x128xf32, #tpu.memory_space<vmem_shared>> -> memref<520x128xf32, #tpu.memory_space<vmem_shared>>
          tpu.wait_dma2 semaphore(%run_scoped3A : memref<!tpu.dma_semaphore, #tpu.memory_space<semaphore_mem>>) src(%dma_wait3A_51 : memref<520x128xf32, #tpu.memory_space<vmem_shared>>) dst(%dma_wait3A_48 : memref<520x128xf32, #tpu.memory_space<hbm>>)
          tpu.yield
        }) : () -> ()
      } else {
      }
    } else {
    }
    %eq3A_11 = arith.constant 1 : i32
    %eq3A_12 = arith.cmpi eq, %arg0, %eq3A_11 : i32
    %convert_element_type3A_13 = arith.extui %eq3A_12 : i1 to i32
    %cond3A_14 = arith.constant 0 : i32
    %cond3A_15 = arith.cmpi ne, %convert_element_type3A_13, %cond3A_14 : i32
    scf.if %cond3A_15 {
      %scan3A = arith.constant 0 : i32
      %scan3A_16 = arith.constant 0 : i32
      %scan3A_17 = arith.constant 5 : i32
      %scan3A_18 = arith.addi %scan3A_16, %scan3A_17 : i32
      %scan3A_19 = arith.constant 1 : i32
      scf.for %scan3A_34 = %scan3A_16 to %scan3A_18 step %scan3A_19  : i32 {
        "tpu.region"() ({
          %run_scoped3A = tpu.sem_alloc : memref<!tpu.dma_semaphore, #tpu.memory_space<semaphore_mem>>
          %dma_start3A_87 = arith.constant 0 : i32
          %dma_start3A_88 = arith.constant 0 : i32
          %dma_start3A_89 = arith.constant 0 : i32
          %dma_start3A_90 = tpu.memref_slice %arg4[%arg1, %dma_start3A_87, %dma_start3A_88, %dma_start3A_89] : memref<16x5x64x64xi32, #tpu.memory_space<hbm>> -> memref<1x5x64x64xi32, #tpu.memory_space<hbm>>
          %dma_start3A_91 = tpu.memref_squeeze %dma_start3A_90 : memref<1x5x64x64xi32, #tpu.memory_space<hbm>> -> memref<5x64x64xi32, #tpu.memory_space<hbm>>
          %dma_start3A_92 = arith.constant 0 : i32
          %dma_start3A_93 = arith.constant 0 : i32
          %dma_start3A_94 = tpu.memref_slice %dma_start3A_91[%scan3A_34, %dma_start3A_92, %dma_start3A_93] : memref<5x64x64xi32, #tpu.memory_space<hbm>> -> memref<1x64x64xi32, #tpu.memory_space<hbm>>
          %dma_start3A_95 = tpu.memref_squeeze %dma_start3A_94 : memref<1x64x64xi32, #tpu.memory_space<hbm>> -> memref<64x64xi32, #tpu.memory_space<hbm>>
          %dma_start3A_96 = arith.constant 0 : i32
          %dma_start3A_97 = arith.constant 0 : i32
          %dma_start3A_98 = arith.constant 0 : i32
          %dma_start3A_99 = tpu.memref_slice %arg4[%arg1, %dma_start3A_96, %dma_start3A_97, %dma_start3A_98] : memref<16x5x64x64xi32, #tpu.memory_space<hbm>> -> memref<1x5x64x64xi32, #tpu.memory_space<hbm>>
          %dma_start3A_100 = tpu.memref_squeeze %dma_start3A_99 : memref<1x5x64x64xi32, #tpu.memory_space<hbm>> -> memref<5x64x64xi32, #tpu.memory_space<hbm>>
          %dma_start3A_101 = arith.constant 0 : i32
          %dma_start3A_102 = arith.constant 0 : i32
          %dma_start3A_103 = tpu.memref_slice %dma_start3A_100[%scan3A_34, %dma_start3A_101, %dma_start3A_102] : memref<5x64x64xi32, #tpu.memory_space<hbm>> -> memref<1x64x64xi32, #tpu.memory_space<hbm>>
          %dma_start3A_104 = tpu.memref_squeeze %dma_start3A_103 : memref<1x64x64xi32, #tpu.memory_space<hbm>> -> memref<64x64xi32, #tpu.memory_space<hbm>>
          tpu.enqueue_dma source(%dma_start3A_104 : memref<64x64xi32, #tpu.memory_space<hbm>>) target(%arg8 : memref<64x64xi32, #tpu.memory_space<vmem>>) target_semaphore(%run_scoped3A : memref<!tpu.dma_semaphore, #tpu.memory_space<semaphore_mem>>)
          %dma_wait3A_105 = arith.constant 0 : i32
          %dma_wait3A_106 = arith.constant 0 : i32
          %dma_wait3A_107 = arith.constant 0 : i32
          %dma_wait3A_108 = tpu.memref_slice %arg4[%arg1, %dma_wait3A_105, %dma_wait3A_106, %dma_wait3A_107] : memref<16x5x64x64xi32, #tpu.memory_space<hbm>> -> memref<1x5x64x64xi32, #tpu.memory_space<hbm>>
          %dma_wait3A_109 = tpu.memref_squeeze %dma_wait3A_108 : memref<1x5x64x64xi32, #tpu.memory_space<hbm>> -> memref<5x64x64xi32, #tpu.memory_space<hbm>>
          %dma_wait3A_110 = arith.constant 0 : i32
          %dma_wait3A_111 = arith.constant 0 : i32
          %dma_wait3A_112 = tpu.memref_slice %dma_wait3A_109[%scan3A_34, %dma_wait3A_110, %dma_wait3A_111] : memref<5x64x64xi32, #tpu.memory_space<hbm>> -> memref<1x64x64xi32, #tpu.memory_space<hbm>>
          %dma_wait3A_113 = tpu.memref_squeeze %dma_wait3A_112 : memref<1x64x64xi32, #tpu.memory_space<hbm>> -> memref<64x64xi32, #tpu.memory_space<hbm>>
          %dma_wait3A_114 = arith.constant 0 : i32
          %dma_wait3A_115 = arith.constant 0 : i32
          %dma_wait3A_116 = arith.constant 0 : i32
          %dma_wait3A_117 = tpu.memref_slice %arg4[%arg1, %dma_wait3A_114, %dma_wait3A_115, %dma_wait3A_116] : memref<16x5x64x64xi32, #tpu.memory_space<hbm>> -> memref<1x5x64x64xi32, #tpu.memory_space<hbm>>
          %dma_wait3A_118 = tpu.memref_squeeze %dma_wait3A_117 : memref<1x5x64x64xi32, #tpu.memory_space<hbm>> -> memref<5x64x64xi32, #tpu.memory_space<hbm>>
          %dma_wait3A_119 = arith.constant 0 : i32
          %dma_wait3A_120 = arith.constant 0 : i32
          %dma_wait3A_121 = tpu.memref_slice %dma_wait3A_118[%scan3A_34, %dma_wait3A_119, %dma_wait3A_120] : memref<5x64x64xi32, #tpu.memory_space<hbm>> -> memref<1x64x64xi32, #tpu.memory_space<hbm>>
          %dma_wait3A_122 = tpu.memref_squeeze %dma_wait3A_121 : memref<1x64x64xi32, #tpu.memory_space<hbm>> -> memref<64x64xi32, #tpu.memory_space<hbm>>
          tpu.wait_dma2 semaphore(%run_scoped3A : memref<!tpu.dma_semaphore, #tpu.memory_space<semaphore_mem>>) src(%dma_wait3A_122 : memref<64x64xi32, #tpu.memory_space<hbm>>) dst(%arg8 : memref<64x64xi32, #tpu.memory_space<vmem>>)
          tpu.yield
        }) : () -> ()
        "tpu.region"() ({
          %run_scoped3A = tpu.sem_alloc : memref<!tpu.dma_semaphore, #tpu.memory_space<semaphore_mem>>
          %dma_start3A_87 = arith.constant 0 : i32
          %dma_start3A_88 = arith.constant 0 : i32
          %dma_start3A_89 = arith.constant 0 : i32
          %dma_start3A_90 = tpu.memref_slice %arg5[%arg1, %dma_start3A_87, %dma_start3A_88, %dma_start3A_89] : memref<16x5x64x64xi32, #tpu.memory_space<hbm>> -> memref<1x5x64x64xi32, #tpu.memory_space<hbm>>
          %dma_start3A_91 = tpu.memref_squeeze %dma_start3A_90 : memref<1x5x64x64xi32, #tpu.memory_space<hbm>> -> memref<5x64x64xi32, #tpu.memory_space<hbm>>
          %dma_start3A_92 = arith.constant 0 : i32
          %dma_start3A_93 = arith.constant 0 : i32
          %dma_start3A_94 = tpu.memref_slice %dma_start3A_91[%scan3A_34, %dma_start3A_92, %dma_start3A_93] : memref<5x64x64xi32, #tpu.memory_space<hbm>> -> memref<1x64x64xi32, #tpu.memory_space<hbm>>
          %dma_start3A_95 = tpu.memref_squeeze %dma_start3A_94 : memref<1x64x64xi32, #tpu.memory_space<hbm>> -> memref<64x64xi32, #tpu.memory_space<hbm>>
          %dma_start3A_96 = arith.constant 0 : i32
          %dma_start3A_97 = arith.constant 0 : i32
          %dma_start3A_98 = arith.constant 0 : i32
          %dma_start3A_99 = tpu.memref_slice %arg5[%arg1, %dma_start3A_96, %dma_start3A_97, %dma_start3A_98] : memref<16x5x64x64xi32, #tpu.memory_space<hbm>> -> memref<1x5x64x64xi32, #tpu.memory_space<hbm>>
          %dma_start3A_100 = tpu.memref_squeeze %dma_start3A_99 : memref<1x5x64x64xi32, #tpu.memory_space<hbm>> -> memref<5x64x64xi32, #tpu.memory_space<hbm>>
          %dma_start3A_101 = arith.constant 0 : i32
          %dma_start3A_102 = arith.constant 0 : i32
          %dma_start3A_103 = tpu.memref_slice %dma_start3A_100[%scan3A_34, %dma_start3A_101, %dma_start3A_102] : memref<5x64x64xi32, #tpu.memory_space<hbm>> -> memref<1x64x64xi32, #tpu.memory_space<hbm>>
          %dma_start3A_104 = tpu.memref_squeeze %dma_start3A_103 : memref<1x64x64xi32, #tpu.memory_space<hbm>> -> memref<64x64xi32, #tpu.memory_space<hbm>>
          tpu.enqueue_dma source(%dma_start3A_104 : memref<64x64xi32, #tpu.memory_space<hbm>>) target(%arg9 : memref<64x64xi32, #tpu.memory_space<vmem>>) target_semaphore(%run_scoped3A : memref<!tpu.dma_semaphore, #tpu.memory_space<semaphore_mem>>)
          %dma_wait3A_105 = arith.constant 0 : i32
          %dma_wait3A_106 = arith.constant 0 : i32
          %dma_wait3A_107 = arith.constant 0 : i32
          %dma_wait3A_108 = tpu.memref_slice %arg5[%arg1, %dma_wait3A_105, %dma_wait3A_106, %dma_wait3A_107] : memref<16x5x64x64xi32, #tpu.memory_space<hbm>> -> memref<1x5x64x64xi32, #tpu.memory_space<hbm>>
          %dma_wait3A_109 = tpu.memref_squeeze %dma_wait3A_108 : memref<1x5x64x64xi32, #tpu.memory_space<hbm>> -> memref<5x64x64xi32, #tpu.memory_space<hbm>>
          %dma_wait3A_110 = arith.constant 0 : i32
          %dma_wait3A_111 = arith.constant 0 : i32
          %dma_wait3A_112 = tpu.memref_slice %dma_wait3A_109[%scan3A_34, %dma_wait3A_110, %dma_wait3A_111] : memref<5x64x64xi32, #tpu.memory_space<hbm>> -> memref<1x64x64xi32, #tpu.memory_space<hbm>>
          %dma_wait3A_113 = tpu.memref_squeeze %dma_wait3A_112 : memref<1x64x64xi32, #tpu.memory_space<hbm>> -> memref<64x64xi32, #tpu.memory_space<hbm>>
          %dma_wait3A_114 = arith.constant 0 : i32
          %dma_wait3A_115 = arith.constant 0 : i32
          %dma_wait3A_116 = arith.constant 0 : i32
          %dma_wait3A_117 = tpu.memref_slice %arg5[%arg1, %dma_wait3A_114, %dma_wait3A_115, %dma_wait3A_116] : memref<16x5x64x64xi32, #tpu.memory_space<hbm>> -> memref<1x5x64x64xi32, #tpu.memory_space<hbm>>
          %dma_wait3A_118 = tpu.memref_squeeze %dma_wait3A_117 : memref<1x5x64x64xi32, #tpu.memory_space<hbm>> -> memref<5x64x64xi32, #tpu.memory_space<hbm>>
          %dma_wait3A_119 = arith.constant 0 : i32
          %dma_wait3A_120 = arith.constant 0 : i32
          %dma_wait3A_121 = tpu.memref_slice %dma_wait3A_118[%scan3A_34, %dma_wait3A_119, %dma_wait3A_120] : memref<5x64x64xi32, #tpu.memory_space<hbm>> -> memref<1x64x64xi32, #tpu.memory_space<hbm>>
          %dma_wait3A_122 = tpu.memref_squeeze %dma_wait3A_121 : memref<1x64x64xi32, #tpu.memory_space<hbm>> -> memref<64x64xi32, #tpu.memory_space<hbm>>
          tpu.wait_dma2 semaphore(%run_scoped3A : memref<!tpu.dma_semaphore, #tpu.memory_space<semaphore_mem>>) src(%dma_wait3A_122 : memref<64x64xi32, #tpu.memory_space<hbm>>) dst(%arg9 : memref<64x64xi32, #tpu.memory_space<vmem>>)
          tpu.yield
        }) : () -> ()
        %dma_start3A = arith.constant 0 : i32
        %dma_start3A_35 = arith.constant 0 : i32
        %dma_start3A_36 = tpu.memref_slice %arg8[%dma_start3A, %dma_start3A_35] : memref<64x64xi32, #tpu.memory_space<vmem>> -> memref<1x64xi32, #tpu.memory_space<vmem>>
        %dma_start3A_37 = tpu.memref_squeeze %dma_start3A_36 : memref<1x64xi32, #tpu.memory_space<vmem>> -> memref<64xi32, #tpu.memory_space<vmem>>
        %dma_start3A_38 = arith.constant 0 : i32
        %dma_start3A_39 = arith.constant 0 : i32
        %dma_start3A_40 = tpu.memref_slice %arg3[%dma_start3A_38, %dma_start3A_39] : memref<10000x128xf32, #tpu.memory_space<hbm>> -> memref<10000x128xf32, #tpu.memory_space<hbm>>
        tpu.enqueue_indirect_dma source(%dma_start3A_40 : memref<10000x128xf32, #tpu.memory_space<hbm>>) target(%arg10 : memref<64x128xf32, #tpu.memory_space<vmem>>) offsets(%dma_start3A_37 : memref<64xi32, #tpu.memory_space<vmem>>) semaphore(%arg15 : memref<!tpu.dma_semaphore, #tpu.memory_space<semaphore_mem>>)
        %dma_start3A_41 = arith.constant 1 : i32
        %dma_start3A_42 = arith.constant 0 : i32
        %dma_start3A_43 = tpu.memref_slice %arg8[%dma_start3A_41, %dma_start3A_42] : memref<64x64xi32, #tpu.memory_space<vmem>> -> memref<1x64xi32, #tpu.memory_space<vmem>>
        %dma_start3A_44 = tpu.memref_squeeze %dma_start3A_43 : memref<1x64xi32, #tpu.memory_space<vmem>> -> memref<64xi32, #tpu.memory_space<vmem>>
        %dma_start3A_45 = arith.constant 0 : i32
        %dma_start3A_46 = arith.constant 0 : i32
        %dma_start3A_47 = tpu.memref_slice %arg3[%dma_start3A_45, %dma_start3A_46] : memref<10000x128xf32, #tpu.memory_space<hbm>> -> memref<10000x128xf32, #tpu.memory_space<hbm>>
        tpu.enqueue_indirect_dma source(%dma_start3A_47 : memref<10000x128xf32, #tpu.memory_space<hbm>>) target(%arg11 : memref<64x128xf32, #tpu.memory_space<vmem>>) offsets(%dma_start3A_44 : memref<64xi32, #tpu.memory_space<vmem>>) semaphore(%arg16 : memref<!tpu.dma_semaphore, #tpu.memory_space<semaphore_mem>>)
        %dma_start3A_48 = arith.constant 2 : i32
        %dma_start3A_49 = arith.constant 0 : i32
        %dma_start3A_50 = tpu.memref_slice %arg8[%dma_start3A_48, %dma_start3A_49] : memref<64x64xi32, #tpu.memory_space<vmem>> -> memref<1x64xi32, #tpu.memory_space<vmem>>
        %dma_start3A_51 = tpu.memref_squeeze %dma_start3A_50 : memref<1x64xi32, #tpu.memory_space<vmem>> -> memref<64xi32, #tpu.memory_space<vmem>>
        %dma_start3A_52 = arith.constant 0 : i32
        %dma_start3A_53 = arith.constant 0 : i32
        %dma_start3A_54 = tpu.memref_slice %arg3[%dma_start3A_52, %dma_start3A_53] : memref<10000x128xf32, #tpu.memory_space<hbm>> -> memref<10000x128xf32, #tpu.memory_space<hbm>>
        tpu.enqueue_indirect_dma source(%dma_start3A_54 : memref<10000x128xf32, #tpu.memory_space<hbm>>) target(%arg12 : memref<64x128xf32, #tpu.memory_space<vmem>>) offsets(%dma_start3A_51 : memref<64xi32, #tpu.memory_space<vmem>>) semaphore(%arg17 : memref<!tpu.dma_semaphore, #tpu.memory_space<semaphore_mem>>)
        %scan3A_55 = arith.constant 0 : i32
        %scan3A_56 = arith.constant 16 : i32
        %scan3A_57 = arith.addi %scan3A_55, %scan3A_56 : i32
        %scan3A_58 = arith.constant 1 : i32
        scf.for %scan3A_87 = %scan3A_55 to %scan3A_57 step %scan3A_58  : i32 {
          %mul3A = arith.constant 4 : i32
          %mul3A_88 = arith.muli %mul3A, %scan3A_87 : i32
          %add3A = arith.constant 0 : i32
          %add3A_89 = arith.addi %mul3A_88, %add3A : i32
          %dma_wait3A_90 = arith.constant 0 : i32
          %dma_wait3A_91 = tpu.memref_slice %arg8[%add3A_89, %dma_wait3A_90] : memref<64x64xi32, #tpu.memory_space<vmem>> -> memref<1x64xi32, #tpu.memory_space<vmem>>
          %dma_wait3A_92 = tpu.memref_squeeze %dma_wait3A_91 : memref<1x64xi32, #tpu.memory_space<vmem>> -> memref<64xi32, #tpu.memory_space<vmem>>
          %dma_wait3A_93 = arith.constant 0 : i32
          %dma_wait3A_94 = arith.constant 0 : i32
          %dma_wait3A_95 = tpu.memref_slice %arg3[%dma_wait3A_93, %dma_wait3A_94] : memref<10000x128xf32, #tpu.memory_space<hbm>> -> memref<10000x128xf32, #tpu.memory_space<hbm>>
          tpu.wait_indirect_dma semaphore(%arg15 : memref<!tpu.dma_semaphore, #tpu.memory_space<semaphore_mem>>) src(%dma_wait3A_95 : memref<10000x128xf32, #tpu.memory_space<hbm>>) dst(%arg10 : memref<64x128xf32, #tpu.memory_space<vmem>>)
          %dma_start3A_96 = arith.constant 0 : i32
          %dma_start3A_97 = tpu.memref_slice %arg9[%add3A_89, %dma_start3A_96] : memref<64x64xi32, #tpu.memory_space<vmem>> -> memref<1x64xi32, #tpu.memory_space<vmem>>
          %dma_start3A_98 = tpu.memref_squeeze %dma_start3A_97 : memref<1x64xi32, #tpu.memory_space<vmem>> -> memref<64xi32, #tpu.memory_space<vmem>>
          %dma_start3A_99 = arith.constant 0 : i32
          %dma_start3A_100 = arith.constant 0 : i32
          %dma_start3A_101 = tpu.memref_slice %arg14[%dma_start3A_99, %dma_start3A_100] : memref<10008x128xf32, #tpu.memory_space<vmem_shared>> -> memref<10008x128xf32, #tpu.memory_space<vmem_shared>>
          tpu.enqueue_indirect_dma source(%arg10 : memref<64x128xf32, #tpu.memory_space<vmem>>) target(%dma_start3A_101 : memref<10008x128xf32, #tpu.memory_space<vmem_shared>>) offsets(%dma_start3A_98 : memref<64xi32, #tpu.memory_space<vmem>>) semaphore(%arg19 : memref<!tpu.dma_semaphore, #tpu.memory_space<semaphore_mem>>) {add = true}
          %ge3A = arith.constant 1 : i32
          %ge3A_102 = arith.cmpi sge, %scan3A_87, %ge3A : i32
          %convert_element_type3A_103 = arith.extui %ge3A_102 : i1 to i32
          %cond3A_104 = arith.constant 0 : i32
          %cond3A_105 = arith.cmpi ne, %convert_element_type3A_103, %cond3A_104 : i32
          scf.if %cond3A_105 {
            %sub3A = arith.constant 1 : i32
            %sub3A_177 = arith.subi %scan3A_87, %sub3A : i32
            %mul3A_178 = arith.constant 4 : i32
            %mul3A_179 = arith.muli %mul3A_178, %sub3A_177 : i32
            %add3A_180 = arith.constant 3 : i32
            %add3A_181 = arith.addi %mul3A_179, %add3A_180 : i32
            %dma_wait3A_182 = arith.constant 0 : i32
            %dma_wait3A_183 = tpu.memref_slice %arg9[%add3A_181, %dma_wait3A_182] : memref<64x64xi32, #tpu.memory_space<vmem>> -> memref<1x64xi32, #tpu.memory_space<vmem>>
            %dma_wait3A_184 = tpu.memref_squeeze %dma_wait3A_183 : memref<1x64xi32, #tpu.memory_space<vmem>> -> memref<64xi32, #tpu.memory_space<vmem>>
            %dma_wait3A_185 = arith.constant 0 : i32
            %dma_wait3A_186 = arith.constant 0 : i32
            %dma_wait3A_187 = tpu.memref_slice %arg14[%dma_wait3A_185, %dma_wait3A_186] : memref<10008x128xf32, #tpu.memory_space<vmem_shared>> -> memref<10008x128xf32, #tpu.memory_space<vmem_shared>>
            tpu.wait_indirect_dma semaphore(%arg22 : memref<!tpu.dma_semaphore, #tpu.memory_space<semaphore_mem>>) src(%arg13 : memref<64x128xf32, #tpu.memory_space<vmem>>) dst(%dma_wait3A_187 : memref<10008x128xf32, #tpu.memory_space<vmem_shared>>)
          } else {
          }
          %add3A_106 = arith.constant 3 : i32
          %add3A_107 = arith.addi %add3A_89, %add3A_106 : i32
          %dma_start3A_108 = arith.constant 0 : i32
          %dma_start3A_109 = tpu.memref_slice %arg8[%add3A_107, %dma_start3A_108] : memref<64x64xi32, #tpu.memory_space<vmem>> -> memref<1x64xi32, #tpu.memory_space<vmem>>
          %dma_start3A_110 = tpu.memref_squeeze %dma_start3A_109 : memref<1x64xi32, #tpu.memory_space<vmem>> -> memref<64xi32, #tpu.memory_space<vmem>>
          %dma_start3A_111 = arith.constant 0 : i32
          %dma_start3A_112 = arith.constant 0 : i32
          %dma_start3A_113 = tpu.memref_slice %arg3[%dma_start3A_111, %dma_start3A_112] : memref<10000x128xf32, #tpu.memory_space<hbm>> -> memref<10000x128xf32, #tpu.memory_space<hbm>>
          tpu.enqueue_indirect_dma source(%dma_start3A_113 : memref<10000x128xf32, #tpu.memory_space<hbm>>) target(%arg13 : memref<64x128xf32, #tpu.memory_space<vmem>>) offsets(%dma_start3A_110 : memref<64xi32, #tpu.memory_space<vmem>>) semaphore(%arg18 : memref<!tpu.dma_semaphore, #tpu.memory_space<semaphore_mem>>)
          %mul3A_114 = arith.constant 4 : i32
          %mul3A_115 = arith.muli %mul3A_114, %scan3A_87 : i32
          %add3A_116 = arith.constant 1 : i32
          %add3A_117 = arith.addi %mul3A_115, %add3A_116 : i32
          %dma_wait3A_118 = arith.constant 0 : i32
          %dma_wait3A_119 = tpu.memref_slice %arg8[%add3A_117, %dma_wait3A_118] : memref<64x64xi32, #tpu.memory_space<vmem>> -> memref<1x64xi32, #tpu.memory_space<vmem>>
          %dma_wait3A_120 = tpu.memref_squeeze %dma_wait3A_119 : memref<1x64xi32, #tpu.memory_space<vmem>> -> memref<64xi32, #tpu.memory_space<vmem>>
          %dma_wait3A_121 = arith.constant 0 : i32
          %dma_wait3A_122 = arith.constant 0 : i32
          %dma_wait3A_123 = tpu.memref_slice %arg3[%dma_wait3A_121, %dma_wait3A_122] : memref<10000x128xf32, #tpu.memory_space<hbm>> -> memref<10000x128xf32, #tpu.memory_space<hbm>>
          tpu.wait_indirect_dma semaphore(%arg16 : memref<!tpu.dma_semaphore, #tpu.memory_space<semaphore_mem>>) src(%dma_wait3A_123 : memref<10000x128xf32, #tpu.memory_space<hbm>>) dst(%arg11 : memref<64x128xf32, #tpu.memory_space<vmem>>)
          %dma_start3A_124 = arith.constant 0 : i32
          %dma_start3A_125 = tpu.memref_slice %arg9[%add3A_117, %dma_start3A_124] : memref<64x64xi32, #tpu.memory_space<vmem>> -> memref<1x64xi32, #tpu.memory_space<vmem>>
          %dma_start3A_126 = tpu.memref_squeeze %dma_start3A_125 : memref<1x64xi32, #tpu.memory_space<vmem>> -> memref<64xi32, #tpu.memory_space<vmem>>
          %dma_start3A_127 = arith.constant 0 : i32
          %dma_start3A_128 = arith.constant 0 : i32
          %dma_start3A_129 = tpu.memref_slice %arg14[%dma_start3A_127, %dma_start3A_128] : memref<10008x128xf32, #tpu.memory_space<vmem_shared>> -> memref<10008x128xf32, #tpu.memory_space<vmem_shared>>
          tpu.enqueue_indirect_dma source(%arg11 : memref<64x128xf32, #tpu.memory_space<vmem>>) target(%dma_start3A_129 : memref<10008x128xf32, #tpu.memory_space<vmem_shared>>) offsets(%dma_start3A_126 : memref<64xi32, #tpu.memory_space<vmem>>) semaphore(%arg20 : memref<!tpu.dma_semaphore, #tpu.memory_space<semaphore_mem>>) {add = true}
          %lt3A_130 = arith.constant 15 : i32
          %lt3A_131 = arith.cmpi slt, %scan3A_87, %lt3A_130 : i32
          %convert_element_type3A_132 = arith.extui %lt3A_131 : i1 to i32
          %cond3A_133 = arith.constant 0 : i32
          %cond3A_134 = arith.cmpi ne, %convert_element_type3A_132, %cond3A_133 : i32
          scf.if %cond3A_134 {
            %mul3A_177 = arith.constant 4 : i32
            %mul3A_178 = arith.muli %mul3A_177, %scan3A_87 : i32
            %add3A_179 = arith.constant 0 : i32
            %add3A_180 = arith.addi %mul3A_178, %add3A_179 : i32
            %dma_wait3A_181 = arith.constant 0 : i32
            %dma_wait3A_182 = tpu.memref_slice %arg9[%add3A_180, %dma_wait3A_181] : memref<64x64xi32, #tpu.memory_space<vmem>> -> memref<1x64xi32, #tpu.memory_space<vmem>>
            %dma_wait3A_183 = tpu.memref_squeeze %dma_wait3A_182 : memref<1x64xi32, #tpu.memory_space<vmem>> -> memref<64xi32, #tpu.memory_space<vmem>>
            %dma_wait3A_184 = arith.constant 0 : i32
            %dma_wait3A_185 = arith.constant 0 : i32
            %dma_wait3A_186 = tpu.memref_slice %arg14[%dma_wait3A_184, %dma_wait3A_185] : memref<10008x128xf32, #tpu.memory_space<vmem_shared>> -> memref<10008x128xf32, #tpu.memory_space<vmem_shared>>
            tpu.wait_indirect_dma semaphore(%arg19 : memref<!tpu.dma_semaphore, #tpu.memory_space<semaphore_mem>>) src(%arg10 : memref<64x128xf32, #tpu.memory_space<vmem>>) dst(%dma_wait3A_186 : memref<10008x128xf32, #tpu.memory_space<vmem_shared>>)
            %add3A_187 = arith.constant 3 : i32
            %add3A_188 = arith.addi %add3A_117, %add3A_187 : i32
            %dma_start3A_189 = arith.constant 0 : i32
            %dma_start3A_190 = tpu.memref_slice %arg8[%add3A_188, %dma_start3A_189] : memref<64x64xi32, #tpu.memory_space<vmem>> -> memref<1x64xi32, #tpu.memory_space<vmem>>
            %dma_start3A_191 = tpu.memref_squeeze %dma_start3A_190 : memref<1x64xi32, #tpu.memory_space<vmem>> -> memref<64xi32, #tpu.memory_space<vmem>>
            %dma_start3A_192 = arith.constant 0 : i32
            %dma_start3A_193 = arith.constant 0 : i32
            %dma_start3A_194 = tpu.memref_slice %arg3[%dma_start3A_192, %dma_start3A_193] : memref<10000x128xf32, #tpu.memory_space<hbm>> -> memref<10000x128xf32, #tpu.memory_space<hbm>>
            tpu.enqueue_indirect_dma source(%dma_start3A_194 : memref<10000x128xf32, #tpu.memory_space<hbm>>) target(%arg10 : memref<64x128xf32, #tpu.memory_space<vmem>>) offsets(%dma_start3A_191 : memref<64xi32, #tpu.memory_space<vmem>>) semaphore(%arg15 : memref<!tpu.dma_semaphore, #tpu.memory_space<semaphore_mem>>)
          } else {
          }
          %mul3A_135 = arith.constant 4 : i32
          %mul3A_136 = arith.muli %mul3A_135, %scan3A_87 : i32
          %add3A_137 = arith.constant 2 : i32
          %add3A_138 = arith.addi %mul3A_136, %add3A_137 : i32
          %dma_wait3A_139 = arith.constant 0 : i32
          %dma_wait3A_140 = tpu.memref_slice %arg8[%add3A_138, %dma_wait3A_139] : memref<64x64xi32, #tpu.memory_space<vmem>> -> memref<1x64xi32, #tpu.memory_space<vmem>>
          %dma_wait3A_141 = tpu.memref_squeeze %dma_wait3A_140 : memref<1x64xi32, #tpu.memory_space<vmem>> -> memref<64xi32, #tpu.memory_space<vmem>>
          %dma_wait3A_142 = arith.constant 0 : i32
          %dma_wait3A_143 = arith.constant 0 : i32
          %dma_wait3A_144 = tpu.memref_slice %arg3[%dma_wait3A_142, %dma_wait3A_143] : memref<10000x128xf32, #tpu.memory_space<hbm>> -> memref<10000x128xf32, #tpu.memory_space<hbm>>
          tpu.wait_indirect_dma semaphore(%arg17 : memref<!tpu.dma_semaphore, #tpu.memory_space<semaphore_mem>>) src(%dma_wait3A_144 : memref<10000x128xf32, #tpu.memory_space<hbm>>) dst(%arg12 : memref<64x128xf32, #tpu.memory_space<vmem>>)
          %dma_start3A_145 = arith.constant 0 : i32
          %dma_start3A_146 = tpu.memref_slice %arg9[%add3A_138, %dma_start3A_145] : memref<64x64xi32, #tpu.memory_space<vmem>> -> memref<1x64xi32, #tpu.memory_space<vmem>>
          %dma_start3A_147 = tpu.memref_squeeze %dma_start3A_146 : memref<1x64xi32, #tpu.memory_space<vmem>> -> memref<64xi32, #tpu.memory_space<vmem>>
          %dma_start3A_148 = arith.constant 0 : i32
          %dma_start3A_149 = arith.constant 0 : i32
          %dma_start3A_150 = tpu.memref_slice %arg14[%dma_start3A_148, %dma_start3A_149] : memref<10008x128xf32, #tpu.memory_space<vmem_shared>> -> memref<10008x128xf32, #tpu.memory_space<vmem_shared>>
          tpu.enqueue_indirect_dma source(%arg12 : memref<64x128xf32, #tpu.memory_space<vmem>>) target(%dma_start3A_150 : memref<10008x128xf32, #tpu.memory_space<vmem_shared>>) offsets(%dma_start3A_147 : memref<64xi32, #tpu.memory_space<vmem>>) semaphore(%arg21 : memref<!tpu.dma_semaphore, #tpu.memory_space<semaphore_mem>>) {add = true}
          %lt3A_151 = arith.constant 15 : i32
          %lt3A_152 = arith.cmpi slt, %scan3A_87, %lt3A_151 : i32
          %convert_element_type3A_153 = arith.extui %lt3A_152 : i1 to i32
          %cond3A_154 = arith.constant 0 : i32
          %cond3A_155 = arith.cmpi ne, %convert_element_type3A_153, %cond3A_154 : i32
          scf.if %cond3A_155 {
            %mul3A_177 = arith.constant 4 : i32
            %mul3A_178 = arith.muli %mul3A_177, %scan3A_87 : i32
            %add3A_179 = arith.constant 1 : i32
            %add3A_180 = arith.addi %mul3A_178, %add3A_179 : i32
            %dma_wait3A_181 = arith.constant 0 : i32
            %dma_wait3A_182 = tpu.memref_slice %arg9[%add3A_180, %dma_wait3A_181] : memref<64x64xi32, #tpu.memory_space<vmem>> -> memref<1x64xi32, #tpu.memory_space<vmem>>
            %dma_wait3A_183 = tpu.memref_squeeze %dma_wait3A_182 : memref<1x64xi32, #tpu.memory_space<vmem>> -> memref<64xi32, #tpu.memory_space<vmem>>
            %dma_wait3A_184 = arith.constant 0 : i32
            %dma_wait3A_185 = arith.constant 0 : i32
            %dma_wait3A_186 = tpu.memref_slice %arg14[%dma_wait3A_184, %dma_wait3A_185] : memref<10008x128xf32, #tpu.memory_space<vmem_shared>> -> memref<10008x128xf32, #tpu.memory_space<vmem_shared>>
            tpu.wait_indirect_dma semaphore(%arg20 : memref<!tpu.dma_semaphore, #tpu.memory_space<semaphore_mem>>) src(%arg11 : memref<64x128xf32, #tpu.memory_space<vmem>>) dst(%dma_wait3A_186 : memref<10008x128xf32, #tpu.memory_space<vmem_shared>>)
            %add3A_187 = arith.constant 3 : i32
            %add3A_188 = arith.addi %add3A_138, %add3A_187 : i32
            %dma_start3A_189 = arith.constant 0 : i32
            %dma_start3A_190 = tpu.memref_slice %arg8[%add3A_188, %dma_start3A_189] : memref<64x64xi32, #tpu.memory_space<vmem>> -> memref<1x64xi32, #tpu.memory_space<vmem>>
            %dma_start3A_191 = tpu.memref_squeeze %dma_start3A_190 : memref<1x64xi32, #tpu.memory_space<vmem>> -> memref<64xi32, #tpu.memory_space<vmem>>
            %dma_start3A_192 = arith.constant 0 : i32
            %dma_start3A_193 = arith.constant 0 : i32
            %dma_start3A_194 = tpu.memref_slice %arg3[%dma_start3A_192, %dma_start3A_193] : memref<10000x128xf32, #tpu.memory_space<hbm>> -> memref<10000x128xf32, #tpu.memory_space<hbm>>
            tpu.enqueue_indirect_dma source(%dma_start3A_194 : memref<10000x128xf32, #tpu.memory_space<hbm>>) target(%arg11 : memref<64x128xf32, #tpu.memory_space<vmem>>) offsets(%dma_start3A_191 : memref<64xi32, #tpu.memory_space<vmem>>) semaphore(%arg16 : memref<!tpu.dma_semaphore, #tpu.memory_space<semaphore_mem>>)
          } else {
          }
          %mul3A_156 = arith.constant 4 : i32
          %mul3A_157 = arith.muli %mul3A_156, %scan3A_87 : i32
          %add3A_158 = arith.constant 3 : i32
          %add3A_159 = arith.addi %mul3A_157, %add3A_158 : i32
          %dma_wait3A_160 = arith.constant 0 : i32
          %dma_wait3A_161 = tpu.memref_slice %arg8[%add3A_159, %dma_wait3A_160] : memref<64x64xi32, #tpu.memory_space<vmem>> -> memref<1x64xi32, #tpu.memory_space<vmem>>
          %dma_wait3A_162 = tpu.memref_squeeze %dma_wait3A_161 : memref<1x64xi32, #tpu.memory_space<vmem>> -> memref<64xi32, #tpu.memory_space<vmem>>
          %dma_wait3A_163 = arith.constant 0 : i32
          %dma_wait3A_164 = arith.constant 0 : i32
          %dma_wait3A_165 = tpu.memref_slice %arg3[%dma_wait3A_163, %dma_wait3A_164] : memref<10000x128xf32, #tpu.memory_space<hbm>> -> memref<10000x128xf32, #tpu.memory_space<hbm>>
          tpu.wait_indirect_dma semaphore(%arg18 : memref<!tpu.dma_semaphore, #tpu.memory_space<semaphore_mem>>) src(%dma_wait3A_165 : memref<10000x128xf32, #tpu.memory_space<hbm>>) dst(%arg13 : memref<64x128xf32, #tpu.memory_space<vmem>>)
          %dma_start3A_166 = arith.constant 0 : i32
          %dma_start3A_167 = tpu.memref_slice %arg9[%add3A_159, %dma_start3A_166] : memref<64x64xi32, #tpu.memory_space<vmem>> -> memref<1x64xi32, #tpu.memory_space<vmem>>
          %dma_start3A_168 = tpu.memref_squeeze %dma_start3A_167 : memref<1x64xi32, #tpu.memory_space<vmem>> -> memref<64xi32, #tpu.memory_space<vmem>>
          %dma_start3A_169 = arith.constant 0 : i32
          %dma_start3A_170 = arith.constant 0 : i32
          %dma_start3A_171 = tpu.memref_slice %arg14[%dma_start3A_169, %dma_start3A_170] : memref<10008x128xf32, #tpu.memory_space<vmem_shared>> -> memref<10008x128xf32, #tpu.memory_space<vmem_shared>>
          tpu.enqueue_indirect_dma source(%arg13 : memref<64x128xf32, #tpu.memory_space<vmem>>) target(%dma_start3A_171 : memref<10008x128xf32, #tpu.memory_space<vmem_shared>>) offsets(%dma_start3A_168 : memref<64xi32, #tpu.memory_space<vmem>>) semaphore(%arg22 : memref<!tpu.dma_semaphore, #tpu.memory_space<semaphore_mem>>) {add = true}
          %lt3A_172 = arith.constant 15 : i32
          %lt3A_173 = arith.cmpi slt, %scan3A_87, %lt3A_172 : i32
          %convert_element_type3A_174 = arith.extui %lt3A_173 : i1 to i32
          %cond3A_175 = arith.constant 0 : i32
          %cond3A_176 = arith.cmpi ne, %convert_element_type3A_174, %cond3A_175 : i32
          scf.if %cond3A_176 {
            %mul3A_177 = arith.constant 4 : i32
            %mul3A_178 = arith.muli %mul3A_177, %scan3A_87 : i32
            %add3A_179 = arith.constant 2 : i32
            %add3A_180 = arith.addi %mul3A_178, %add3A_179 : i32
            %dma_wait3A_181 = arith.constant 0 : i32
            %dma_wait3A_182 = tpu.memref_slice %arg9[%add3A_180, %dma_wait3A_181] : memref<64x64xi32, #tpu.memory_space<vmem>> -> memref<1x64xi32, #tpu.memory_space<vmem>>
            %dma_wait3A_183 = tpu.memref_squeeze %dma_wait3A_182 : memref<1x64xi32, #tpu.memory_space<vmem>> -> memref<64xi32, #tpu.memory_space<vmem>>
            %dma_wait3A_184 = arith.constant 0 : i32
            %dma_wait3A_185 = arith.constant 0 : i32
            %dma_wait3A_186 = tpu.memref_slice %arg14[%dma_wait3A_184, %dma_wait3A_185] : memref<10008x128xf32, #tpu.memory_space<vmem_shared>> -> memref<10008x128xf32, #tpu.memory_space<vmem_shared>>
            tpu.wait_indirect_dma semaphore(%arg21 : memref<!tpu.dma_semaphore, #tpu.memory_space<semaphore_mem>>) src(%arg12 : memref<64x128xf32, #tpu.memory_space<vmem>>) dst(%dma_wait3A_186 : memref<10008x128xf32, #tpu.memory_space<vmem_shared>>)
            %add3A_187 = arith.constant 3 : i32
            %add3A_188 = arith.addi %add3A_159, %add3A_187 : i32
            %dma_start3A_189 = arith.constant 0 : i32
            %dma_start3A_190 = tpu.memref_slice %arg8[%add3A_188, %dma_start3A_189] : memref<64x64xi32, #tpu.memory_space<vmem>> -> memref<1x64xi32, #tpu.memory_space<vmem>>
            %dma_start3A_191 = tpu.memref_squeeze %dma_start3A_190 : memref<1x64xi32, #tpu.memory_space<vmem>> -> memref<64xi32, #tpu.memory_space<vmem>>
            %dma_start3A_192 = arith.constant 0 : i32
            %dma_start3A_193 = arith.constant 0 : i32
            %dma_start3A_194 = tpu.memref_slice %arg3[%dma_start3A_192, %dma_start3A_193] : memref<10000x128xf32, #tpu.memory_space<hbm>> -> memref<10000x128xf32, #tpu.memory_space<hbm>>
            tpu.enqueue_indirect_dma source(%dma_start3A_194 : memref<10000x128xf32, #tpu.memory_space<hbm>>) target(%arg12 : memref<64x128xf32, #tpu.memory_space<vmem>>) offsets(%dma_start3A_191 : memref<64xi32, #tpu.memory_space<vmem>>) semaphore(%arg17 : memref<!tpu.dma_semaphore, #tpu.memory_space<semaphore_mem>>)
          } else {
          }
        }
        %scan3A_59 = arith.constant 16 : i32
        %dma_wait3A = arith.constant 60 : i32
        %dma_wait3A_60 = arith.constant 0 : i32
        %dma_wait3A_61 = tpu.memref_slice %arg9[%dma_wait3A, %dma_wait3A_60] : memref<64x64xi32, #tpu.memory_space<vmem>> -> memref<1x64xi32, #tpu.memory_space<vmem>>
        %dma_wait3A_62 = tpu.memref_squeeze %dma_wait3A_61 : memref<1x64xi32, #tpu.memory_space<vmem>> -> memref<64xi32, #tpu.memory_space<vmem>>
        %dma_wait3A_63 = arith.constant 0 : i32
        %dma_wait3A_64 = arith.constant 0 : i32
        %dma_wait3A_65 = tpu.memref_slice %arg14[%dma_wait3A_63, %dma_wait3A_64] : memref<10008x128xf32, #tpu.memory_space<vmem_shared>> -> memref<10008x128xf32, #tpu.memory_space<vmem_shared>>
        tpu.wait_indirect_dma semaphore(%arg19 : memref<!tpu.dma_semaphore, #tpu.memory_space<semaphore_mem>>) src(%arg10 : memref<64x128xf32, #tpu.memory_space<vmem>>) dst(%dma_wait3A_65 : memref<10008x128xf32, #tpu.memory_space<vmem_shared>>)
        %dma_wait3A_66 = arith.constant 61 : i32
        %dma_wait3A_67 = arith.constant 0 : i32
        %dma_wait3A_68 = tpu.memref_slice %arg9[%dma_wait3A_66, %dma_wait3A_67] : memref<64x64xi32, #tpu.memory_space<vmem>> -> memref<1x64xi32, #tpu.memory_space<vmem>>
        %dma_wait3A_69 = tpu.memref_squeeze %dma_wait3A_68 : memref<1x64xi32, #tpu.memory_space<vmem>> -> memref<64xi32, #tpu.memory_space<vmem>>
        %dma_wait3A_70 = arith.constant 0 : i32
        %dma_wait3A_71 = arith.constant 0 : i32
        %dma_wait3A_72 = tpu.memref_slice %arg14[%dma_wait3A_70, %dma_wait3A_71] : memref<10008x128xf32, #tpu.memory_space<vmem_shared>> -> memref<10008x128xf32, #tpu.memory_space<vmem_shared>>
        tpu.wait_indirect_dma semaphore(%arg20 : memref<!tpu.dma_semaphore, #tpu.memory_space<semaphore_mem>>) src(%arg11 : memref<64x128xf32, #tpu.memory_space<vmem>>) dst(%dma_wait3A_72 : memref<10008x128xf32, #tpu.memory_space<vmem_shared>>)
        %dma_wait3A_73 = arith.constant 62 : i32
        %dma_wait3A_74 = arith.constant 0 : i32
        %dma_wait3A_75 = tpu.memref_slice %arg9[%dma_wait3A_73, %dma_wait3A_74] : memref<64x64xi32, #tpu.memory_space<vmem>> -> memref<1x64xi32, #tpu.memory_space<vmem>>
        %dma_wait3A_76 = tpu.memref_squeeze %dma_wait3A_75 : memref<1x64xi32, #tpu.memory_space<vmem>> -> memref<64xi32, #tpu.memory_space<vmem>>
        %dma_wait3A_77 = arith.constant 0 : i32
        %dma_wait3A_78 = arith.constant 0 : i32
        %dma_wait3A_79 = tpu.memref_slice %arg14[%dma_wait3A_77, %dma_wait3A_78] : memref<10008x128xf32, #tpu.memory_space<vmem_shared>> -> memref<10008x128xf32, #tpu.memory_space<vmem_shared>>
        tpu.wait_indirect_dma semaphore(%arg21 : memref<!tpu.dma_semaphore, #tpu.memory_space<semaphore_mem>>) src(%arg12 : memref<64x128xf32, #tpu.memory_space<vmem>>) dst(%dma_wait3A_79 : memref<10008x128xf32, #tpu.memory_space<vmem_shared>>)
        %dma_wait3A_80 = arith.constant 63 : i32
        %dma_wait3A_81 = arith.constant 0 : i32
        %dma_wait3A_82 = tpu.memref_slice %arg9[%dma_wait3A_80, %dma_wait3A_81] : memref<64x64xi32, #tpu.memory_space<vmem>> -> memref<1x64xi32, #tpu.memory_space<vmem>>
        %dma_wait3A_83 = tpu.memref_squeeze %dma_wait3A_82 : memref<1x64xi32, #tpu.memory_space<vmem>> -> memref<64xi32, #tpu.memory_space<vmem>>
        %dma_wait3A_84 = arith.constant 0 : i32
        %dma_wait3A_85 = arith.constant 0 : i32
        %dma_wait3A_86 = tpu.memref_slice %arg14[%dma_wait3A_84, %dma_wait3A_85] : memref<10008x128xf32, #tpu.memory_space<vmem_shared>> -> memref<10008x128xf32, #tpu.memory_space<vmem_shared>>
        tpu.wait_indirect_dma semaphore(%arg22 : memref<!tpu.dma_semaphore, #tpu.memory_space<semaphore_mem>>) src(%arg13 : memref<64x128xf32, #tpu.memory_space<vmem>>) dst(%dma_wait3A_86 : memref<10008x128xf32, #tpu.memory_space<vmem_shared>>)
      }
      %scan3A_20 = arith.constant 5 : i32
      %barrier3A_21 = arith.constant 0 : index
      tpu.barrier barrier_id(%barrier3A_21)
      %lt3A_22 = arith.constant 15 : i32
      %lt3A_23 = arith.cmpi slt, %arg1, %lt3A_22 : i32
      %convert_element_type3A_24 = arith.extui %lt3A_23 : i1 to i32
      %cond3A_25 = arith.constant 1 : i32
      %cond3A_26 = arith.constant 0 : i32
      %cond3A_27 = arith.cmpi ne, %convert_element_type3A_24, %cond3A_26 : i32
      scf.if %cond3A_27 {
        %mul3A = arith.constant 632 : i32
        %mul3A_34 = arith.muli %arg1, %mul3A : i32
        %mul3A_35 = arith.constant 632 : i32
        %mul3A_36 = arith.muli %arg1, %mul3A_35 : i32
        "tpu.region"() ({
          %run_scoped3A = tpu.sem_alloc : memref<!tpu.dma_semaphore, #tpu.memory_space<semaphore_mem>>
          %dma_start3A = arith.constant 0 : i32
          %dma_start3A_37 = arith.constant 0 : i32
          %dma_start3A_38 = tpu.memref_slice %arg7[%cond3A_25, %dma_start3A, %dma_start3A_37] : memref<2x10000x128xf32, #tpu.memory_space<hbm>> -> memref<1x10000x128xf32, #tpu.memory_space<hbm>>
          %dma_start3A_39 = tpu.memref_squeeze %dma_start3A_38 : memref<1x10000x128xf32, #tpu.memory_space<hbm>> -> memref<10000x128xf32, #tpu.memory_space<hbm>>
          %dma_start3A_40 = arith.constant 0 : i32
          %dma_start3A_41 = tpu.memref_slice %dma_start3A_39[%mul3A_36, %dma_start3A_40] : memref<10000x128xf32, #tpu.memory_space<hbm>> -> memref<632x128xf32, #tpu.memory_space<hbm>>
          %dma_start3A_42 = arith.constant 0 : i32
          %dma_start3A_43 = tpu.memref_slice %arg14[%mul3A_34, %dma_start3A_42] : memref<10008x128xf32, #tpu.memory_space<vmem_shared>> -> memref<632x128xf32, #tpu.memory_space<vmem_shared>>
          tpu.enqueue_dma source(%dma_start3A_43 : memref<632x128xf32, #tpu.memory_space<vmem_shared>>) target(%dma_start3A_41 : memref<632x128xf32, #tpu.memory_space<hbm>>) target_semaphore(%run_scoped3A : memref<!tpu.dma_semaphore, #tpu.memory_space<semaphore_mem>>)
          %dma_wait3A = arith.constant 0 : i32
          %dma_wait3A_44 = arith.constant 0 : i32
          %dma_wait3A_45 = tpu.memref_slice %arg7[%cond3A_25, %dma_wait3A, %dma_wait3A_44] : memref<2x10000x128xf32, #tpu.memory_space<hbm>> -> memref<1x10000x128xf32, #tpu.memory_space<hbm>>
          %dma_wait3A_46 = tpu.memref_squeeze %dma_wait3A_45 : memref<1x10000x128xf32, #tpu.memory_space<hbm>> -> memref<10000x128xf32, #tpu.memory_space<hbm>>
          %dma_wait3A_47 = arith.constant 0 : i32
          %dma_wait3A_48 = tpu.memref_slice %dma_wait3A_46[%mul3A_36, %dma_wait3A_47] : memref<10000x128xf32, #tpu.memory_space<hbm>> -> memref<632x128xf32, #tpu.memory_space<hbm>>
          %dma_wait3A_49 = arith.constant 0 : i32
          %dma_wait3A_50 = tpu.memref_slice %arg14[%mul3A_34, %dma_wait3A_49] : memref<10008x128xf32, #tpu.memory_space<vmem_shared>> -> memref<632x128xf32, #tpu.memory_space<vmem_shared>>
          tpu.wait_dma2 semaphore(%run_scoped3A : memref<!tpu.dma_semaphore, #tpu.memory_space<semaphore_mem>>) src(%dma_wait3A_50 : memref<632x128xf32, #tpu.memory_space<vmem_shared>>) dst(%dma_wait3A_48 : memref<632x128xf32, #tpu.memory_space<hbm>>)
          tpu.yield
        }) : () -> ()
      } else {
      }
      %eq3A_28 = arith.constant 15 : i32
      %eq3A_29 = arith.cmpi eq, %arg1, %eq3A_28 : i32
      %convert_element_type3A_30 = arith.extui %eq3A_29 : i1 to i32
      %cond3A_31 = arith.constant 1 : i32
      %cond3A_32 = arith.constant 0 : i32
      %cond3A_33 = arith.cmpi ne, %convert_element_type3A_30, %cond3A_32 : i32
      scf.if %cond3A_33 {
        "tpu.region"() ({
          %run_scoped3A = tpu.sem_alloc : memref<!tpu.dma_semaphore, #tpu.memory_space<semaphore_mem>>
          %dma_start3A = arith.constant 0 : i32
          %dma_start3A_34 = arith.constant 0 : i32
          %dma_start3A_35 = tpu.memref_slice %arg7[%cond3A_31, %dma_start3A, %dma_start3A_34] : memref<2x10000x128xf32, #tpu.memory_space<hbm>> -> memref<1x10000x128xf32, #tpu.memory_space<hbm>>
          %dma_start3A_36 = tpu.memref_squeeze %dma_start3A_35 : memref<1x10000x128xf32, #tpu.memory_space<hbm>> -> memref<10000x128xf32, #tpu.memory_space<hbm>>
          %dma_start3A_37 = arith.constant 9480 : i32
          %dma_start3A_38 = arith.constant 0 : i32
          %dma_start3A_39 = tpu.memref_slice %dma_start3A_36[%dma_start3A_37, %dma_start3A_38] : memref<10000x128xf32, #tpu.memory_space<hbm>> -> memref<520x128xf32, #tpu.memory_space<hbm>>
          %dma_start3A_40 = arith.constant 9480 : i32
          %dma_start3A_41 = arith.constant 0 : i32
          %dma_start3A_42 = tpu.memref_slice %arg14[%dma_start3A_40, %dma_start3A_41] : memref<10008x128xf32, #tpu.memory_space<vmem_shared>> -> memref<520x128xf32, #tpu.memory_space<vmem_shared>>
          tpu.enqueue_dma source(%dma_start3A_42 : memref<520x128xf32, #tpu.memory_space<vmem_shared>>) target(%dma_start3A_39 : memref<520x128xf32, #tpu.memory_space<hbm>>) target_semaphore(%run_scoped3A : memref<!tpu.dma_semaphore, #tpu.memory_space<semaphore_mem>>)
          %dma_wait3A = arith.constant 0 : i32
          %dma_wait3A_43 = arith.constant 0 : i32
          %dma_wait3A_44 = tpu.memref_slice %arg7[%cond3A_31, %dma_wait3A, %dma_wait3A_43] : memref<2x10000x128xf32, #tpu.memory_space<hbm>> -> memref<1x10000x128xf32, #tpu.memory_space<hbm>>
          %dma_wait3A_45 = tpu.memref_squeeze %dma_wait3A_44 : memref<1x10000x128xf32, #tpu.memory_space<hbm>> -> memref<10000x128xf32, #tpu.memory_space<hbm>>
          %dma_wait3A_46 = arith.constant 9480 : i32
          %dma_wait3A_47 = arith.constant 0 : i32
          %dma_wait3A_48 = tpu.memref_slice %dma_wait3A_45[%dma_wait3A_46, %dma_wait3A_47] : memref<10000x128xf32, #tpu.memory_space<hbm>> -> memref<520x128xf32, #tpu.memory_space<hbm>>
          %dma_wait3A_49 = arith.constant 9480 : i32
          %dma_wait3A_50 = arith.constant 0 : i32
          %dma_wait3A_51 = tpu.memref_slice %arg14[%dma_wait3A_49, %dma_wait3A_50] : memref<10008x128xf32, #tpu.memory_space<vmem_shared>> -> memref<520x128xf32, #tpu.memory_space<vmem_shared>>
          tpu.wait_dma2 semaphore(%run_scoped3A : memref<!tpu.dma_semaphore, #tpu.memory_space<semaphore_mem>>) src(%dma_wait3A_51 : memref<520x128xf32, #tpu.memory_space<vmem_shared>>) dst(%dma_wait3A_48 : memref<520x128xf32, #tpu.memory_space<hbm>>)
          tpu.yield
        }) : () -> ()
      } else {
      }
    } else {
    }
    return
  }
}

module attributes {stable_mosaic.version = 14 : i64} {
  func.func @head_kernel(%arg0: memref<2x10000x128xf32, #tpu.memory_space<vmem>>, %arg1: memref<128x128xf32, #tpu.memory_space<vmem>>, %arg2: memref<1x1xf32, #tpu.memory_space<vmem>>, %arg3: memref<128x128xf32, #tpu.memory_space<vmem>>, %arg4: memref<10000x2xf32, #tpu.memory_space<vmem>>) attributes {dimension_semantics = [], scalar_prefetch = 0 : i64, scratch_operands = 0 : i64, tpu.core_type = #tpu.core_type<tc>} {
    %get3A = arith.constant 0 : index
    %get3A_0 = arith.constant 0 : index
    %get3A_1 = vector.load %arg1[%get3A, %get3A_0] : memref<128x128xf32, #tpu.memory_space<vmem>>, vector<128x128xf32>
    %transpose3A = tpu.transpose %get3A_1, [1, 0] : vector<128x128xf32> -> vector<128x128xf32>
    %get3A_2 = arith.constant 0 : index
    %get3A_3 = arith.constant 0 : index
    %get3A_4 = vector.load %arg2[%get3A_2, %get3A_3] : memref<1x1xf32, #tpu.memory_space<vmem>>, vector<1x1xf32>
    %get3A_5 = vector.extract %get3A_4[0, 0] : f32 from vector<1x1xf32>
    %get3A_6 = arith.constant 0 : index
    %get3A_7 = arith.constant 0 : index
    %get3A_8 = arith.constant 0 : index
    %get3A_9 = vector.load %arg0[%get3A_6, %get3A_7, %get3A_8] : memref<2x10000x128xf32, #tpu.memory_space<vmem>>, vector<1x10000x128xf32>
    %get3A_10 = vector.shape_cast %get3A_9 : vector<1x10000x128xf32> to vector<10000x128xf32>
    %dot_general3A = arith.constant dense<0.000000e+00> : vector<10000x128xf32>
    %dot_general3A_11 = tpu.matmul %get3A_10, %transpose3A, %dot_general3A {dimension_numbers = #tpu.dot_dimension_numbers<[1], [0], [0], [1], [0, 0, 1, 1], [], []>, transpose_lhs_hint = false} : vector<10000x128xf32>, vector<128x128xf32>, vector<10000x128xf32> -> vector<10000x128xf32>
    %ge3A = arith.constant 0.000000e+00 : f32
    %ge3A_12 = vector.broadcast %ge3A : f32 to vector<10000x128xf32>
    %ge3A_13 = arith.cmpf oge, %dot_general3A_11, %ge3A_12 : vector<10000x128xf32>
    %mul3A = vector.broadcast %get3A_5 : f32 to vector<10000x128xf32>
    %mul3A_14 = arith.mulf %mul3A, %dot_general3A_11 : vector<10000x128xf32>
    %select_n3A = arith.select %ge3A_13, %dot_general3A_11, %mul3A_14 : vector<10000x128xi1>, vector<10000x128xf32>
    %get3A_15 = arith.constant 1 : index
    %get3A_16 = arith.constant 0 : index
    %get3A_17 = arith.constant 0 : index
    %get3A_18 = vector.load %arg0[%get3A_15, %get3A_16, %get3A_17] : memref<2x10000x128xf32, #tpu.memory_space<vmem>>, vector<1x10000x128xf32>
    %get3A_19 = vector.shape_cast %get3A_18 : vector<1x10000x128xf32> to vector<10000x128xf32>
    %dot_general3A_20 = arith.constant dense<0.000000e+00> : vector<10000x128xf32>
    %dot_general3A_21 = tpu.matmul %get3A_19, %transpose3A, %dot_general3A_20 {dimension_numbers = #tpu.dot_dimension_numbers<[1], [0], [0], [1], [0, 0, 1, 1], [], []>, transpose_lhs_hint = false} : vector<10000x128xf32>, vector<128x128xf32>, vector<10000x128xf32> -> vector<10000x128xf32>
    %ge3A_22 = arith.constant 0.000000e+00 : f32
    %ge3A_23 = vector.broadcast %ge3A_22 : f32 to vector<10000x128xf32>
    %ge3A_24 = arith.cmpf oge, %dot_general3A_21, %ge3A_23 : vector<10000x128xf32>
    %mul3A_25 = vector.broadcast %get3A_5 : f32 to vector<10000x128xf32>
    %mul3A_26 = arith.mulf %mul3A_25, %dot_general3A_21 : vector<10000x128xf32>
    %select_n3A_27 = arith.select %ge3A_24, %dot_general3A_21, %mul3A_26 : vector<10000x128xi1>, vector<10000x128xf32>
    %reduce_sum3A = arith.constant dense<0.000000e+00> : vector<128xf32>
    %reduce_sum3A_28 = vector.multi_reduction <add>, %select_n3A, %reduce_sum3A [0] : vector<10000x128xf32> to vector<128xf32>
    %broadcast_in_dim3A = vector.shape_cast %reduce_sum3A_28 : vector<128xf32> to vector<1x128xf32>
    %div3A = arith.constant 1.000000e+04 : f32
    %div3A_29 = vector.broadcast %div3A : f32 to vector<1x128xf32>
    %div3A_30 = arith.divf %broadcast_in_dim3A, %div3A_29 : vector<1x128xf32>
    %logistic3A = arith.negf %div3A_30 : vector<1x128xf32>
    %logistic3A_31 = math.exp %logistic3A : vector<1x128xf32>
    %logistic3A_32 = arith.constant 1.000000e+00 : f32
    %logistic3A_33 = vector.broadcast %logistic3A_32 : f32 to vector<1x128xf32>
    %logistic3A_34 = arith.addf %logistic3A_33, %logistic3A_31 : vector<1x128xf32>
    %logistic3A_35 = arith.divf %logistic3A_33, %logistic3A_34 : vector<1x128xf32>
    %get3A_36 = arith.constant 0 : index
    %get3A_37 = arith.constant 0 : index
    %get3A_38 = vector.load %arg3[%get3A_36, %get3A_37] : memref<128x128xf32, #tpu.memory_space<vmem>>, vector<128x128xf32>
    %transpose3A_39 = tpu.transpose %get3A_38, [1, 0] : vector<128x128xf32> -> vector<128x128xf32>
    %dot_general3A_40 = arith.constant dense<0.000000e+00> : vector<1x128xf32>
    %dot_general3A_41 = tpu.matmul %logistic3A_35, %transpose3A_39, %dot_general3A_40 {dimension_numbers = #tpu.dot_dimension_numbers<[1], [0], [0], [1], [0, 0, 1, 1], [], []>, transpose_lhs_hint = false} : vector<1x128xf32>, vector<128x128xf32>, vector<1x128xf32> -> vector<1x128xf32>
    %mul3A_42 = vector.broadcast %dot_general3A_41 : vector<1x128xf32> to vector<10000x128xf32>
    %mul3A_43 = arith.mulf %select_n3A, %mul3A_42 : vector<10000x128xf32>
    %reduce_sum3A_44 = arith.constant dense<0.000000e+00> : vector<10000xf32>
    %reduce_sum3A_45 = vector.multi_reduction <add>, %mul3A_43, %reduce_sum3A_44 [1] : vector<10000x128xf32> to vector<10000xf32>
    %broadcast_in_dim3A_46 = vector.shape_cast %reduce_sum3A_45 : vector<10000xf32> to vector<10000x1xf32>
    %mul3A_47 = vector.broadcast %dot_general3A_41 : vector<1x128xf32> to vector<10000x128xf32>
    %mul3A_48 = arith.mulf %select_n3A_27, %mul3A_47 : vector<10000x128xf32>
    %reduce_sum3A_49 = arith.constant dense<0.000000e+00> : vector<10000xf32>
    %reduce_sum3A_50 = vector.multi_reduction <add>, %mul3A_48, %reduce_sum3A_49 [1] : vector<10000x128xf32> to vector<10000xf32>
    %broadcast_in_dim3A_51 = vector.shape_cast %reduce_sum3A_50 : vector<10000xf32> to vector<10000x1xf32>
    %concatenate3A = tpu.concatenate %broadcast_in_dim3A_46, %broadcast_in_dim3A_51 in 1 : vector<10000x1xf32>, vector<10000x1xf32> -> vector<10000x2xf32>
    %swap3A = arith.constant 0 : index
    %swap3A_52 = arith.constant 0 : index
    %swap3A_53 = vector.load %arg4[%swap3A, %swap3A_52] : memref<10000x2xf32, #tpu.memory_space<vmem>>, vector<10000x2xf32>
    tpu.vector_store %arg4[%swap3A, %swap3A_52], %concatenate3A {strides = array<i32>} : memref<10000x2xf32, #tpu.memory_space<vmem>>, vector<10000x2xf32>,
    return
  }
}

</mosaic_0001>

<sc_bundles>
// kernel: kernel.4.cloned.1.call-start
scs
__scs_entry_jumppad:
0x0: {  	(pc) =	sbr.rel $0x88, $3  }
0x1: {  	(tag) =	ssettag $0x0;
	lr =	simm.s32 $0x1  }
0x2: {  	[smem:$0x3F9B] =	sst lr;
	_ =	strace $0xD0000000  }
0x3: {  	_ = 	snop  }
0x4: {  	_ = 	snop  }
0x5: {  	_ = 	snop  }
0x6: {  	_ = 	snop  }
0x7: {  	_ = 	snop  }
__scs_overlays_trampoline_lowered:
0x8: {  	[smem:$0x3FAA] =	sst s0  }
0x9: {  	[smem:$0x3FAB] =	sst s1  }
0xa: {  	[smem:$0x3FAC] =	sst s2  }
0xb: {  	[smem:$0x3FAD] =	sst s3  }
0xc: {  	[smem:$0x3FAE] =	sst s4  }
0xd: {  	[smem:$0x3FAF] =	sst s5  }
0xe: {  	[smem:$0x3FB0] =	sst s6  }
0xf: {  	[smem:$0x3FB1] =	sst s7  }
0x10: {  	[smem:$0x3FB2] =	sst s8  }
0x11: {  	[smem:$0x3FB3] =	sst s9;
	s0 =	simm.s32 @!p0 $0x0  }
0x12: {  	s1 =	sld [smem:$0x3F99];
	s0 =	simm.s32 @p0 $0x1  }
0x13: {  	[smem:$0x3FB4] =	sst s0;
	s0 =	simm.s32 @!p1 $0x0  }
0x14: {  	s2 =	sld [smem:$0x3F98];
	s0 =	simm.s32 @p1 $0x1  }
0x15: {  	[smem:$0x3FB5] =	sst s0;
	s0 =	simm.s32 @!p2 $0x0  }
0x16: {  	s3 =	sld [smem:$0x3FDB];
	s0 =	simm.s32 @p2 $0x1  }
0x17: {  	s4 =	simm.s32 $0x1BF5;
	[smem:$0x3FB7] =	sst s0  }
0x18: {  	s0 =	sld [smem:$0x3F9A];
	_ =	swait.ge [sflag:s4], $0x0  }
0x19: {  	s7 =	sld [smem:$0x3F9B]  }
0x1a: {  	s8 =	sadd.s32 $0xFFFFE003, lr  }
0x1b: {  	s9 =	sadd.s32 $0xFFFFFEF7, lr;
	s5 =	simm.s32 $0xFFFFFFFF;
	p2 =	slt.u32 s8, $0xFFFFF086  }
0x1c: {  	p1 =	slt.u32 s9, $0xF7A;
	s5 =	simm.s32 @!p2 $0x0  }
0x1d: {  	s5 =	simm.s32 @p1 $0x1;
	p0 =	seq.s32 s7, s2  }
0x1e: {  	s7 =	smul.u32 @!p0 $0xF7A, s2;
	p2 =	seq.s32 @!p0 s5, $0x0  }
0x1f: {  	s9 =	smul.u32 $0xF7A, s1;
	s8 =	simm.s32 @!p0 $0x1BF5;
	p2 =	por !p2, p0  }
0x20: {  	[sflag:s8] =	ssyncset.s32 @!p0 $0xFFFFF086;
	s6 =	sadd.s32 @!p0 s3, s7;
	s7 =	simm.s32 @!p0 $0x108  }
0x21: {  	s3 =	sadd.s32 s3, s9;
	s6 =	sadd.s32 @!p0 $0x88, s6;
	s7 =	simm.s32 @p2 $0x1082  }
0x22: {  	[simem:s7], [sflag:s8] =	dma.local @!p0 [hbm:s6], $0xF7A  }
0x23: {  	s9 =	sor.u32 $0xD0000000, s2;
	s6 =	simm.s32 $0x108;
	_ =	swait.ge @!p0 [sflag:s8], $0x0  }
0x24: {  	s3 =	sadd.s32 $0x88, s3;
	s6 =	simm.s32 @!p1 $0x1082;
	[sflag:s4] =	ssyncset.s32 $0xFFFFF086  }
0x25: {  	[simem:s6], [sflag:s4] =	dma.local [hbm:s3], $0xF7A  }
0x26: {  	[smem:$0x3F9B] =	sst s1;
	(tag) =	ssettag s2;
	_ =	strace s9  }
0x27: {  	s1 =	sld [smem:$0x3FAB]  }
0x28: {  	s2 =	sld [smem:$0x3FAC]  }
0x29: {  	s4 =	sld [smem:$0x3FAE]  }
0x2a: {  	p0 =	seq.s32 s5, $0x0;
	s5 =	sld [smem:$0x3FAF]  }
0x2b: {  	s6 =	sld [smem:$0x3FB0]  }
0x2c: {  	s7 =	sld [smem:$0x3FB1]  }
0x2d: {  	s3 =	simm.s32 $0x108;
	s8 =	sld [smem:$0x3FB2]  }
0x2e: {  	s3 =	simm.s32 @!p0 $0x1082;
	s9 =	sld [smem:$0x3FB3]  }
0x2f: {  	lr =	sadd.s32 s0, s3;
	s0 =	sld [smem:$0x3FAA]  }
0x30: {  	s3 =	sld [smem:$0x3FAD]  }
0x31: {  	[smem:$0x3FB6] =	sst s10  }
0x32: {  	s10 =	sld [smem:$0x3FB4];
	_ =	sdelay $0x3  }
0x33: {  	p0 =	seq.s32 s10, $0x1;
	s10 =	sld [smem:$0x3FB6];
	_ =	sdelay $0x3  }
0x34: {  	[smem:$0x3FB6] =	sst s10  }
0x35: {  	s10 =	sld [smem:$0x3FB5];
	_ =	sdelay $0x3  }
0x36: {  	p1 =	seq.s32 s10, $0x1;
	s10 =	sld [smem:$0x3FB6];
	_ =	sdelay $0x3  }
0x37: {  	[smem:$0x3FB6] =	sst s10  }
0x38: {  	s10 =	sld [smem:$0x3FB7]  }
0x39: {  	_ = 	snop;
	(pc) =	sbr.ind lr, $3  }
0x3a: {  	_ = 	snop  }
0x3b: {  	_ = 	snop  }
0x3c: {  	p2 =	seq.s32 s10, $0x1;
	s10 =	sld [smem:$0x3FB6]  }
0x3d: {  	_ =	shalt  }
0x3e: {  	_ =	shalt  }
0x3f: {  	_ =	shalt  }
0x40: {  	_ =	shalt  }
0x41: {  	_ =	shalt  }
0x42: {  	_ =	shalt  }
0x43: {  	_ =	shalt  }
0x44: {  	_ =	shalt  }
0x45: {  	_ =	shalt  }
0x46: {  	_ =	shalt  }
0x47: {  	_ =	shalt  }
0x48: {  	_ =	shalt  }
0x49: {  	_ =	shalt  }
0x4a: {  	_ =	shalt  }
0x4b: {  	_ =	shalt  }
0x4c: {  	_ =	shalt  }
0x4d: {  	_ =	shalt  }
0x4e: {  	_ =	shalt  }
0x4f: {  	_ =	shalt  }
0x50: {  	_ =	shalt  }
0x51: {  	_ =	shalt  }
0x52: {  	_ =	shalt  }
0x53: {  	_ =	shalt  }
0x54: {  	_ =	shalt  }
0x55: {  	_ =	shalt  }
0x56: {  	_ =	shalt  }
0x57: {  	_ =	shalt  }
0x58: {  	_ =	shalt  }
0x59: {  	_ =	shalt  }
0x5a: {  	_ =	shalt  }
0x5b: {  	_ =	shalt  }
0x5c: {  	_ =	shalt  }
0x5d: {  	_ =	shalt  }
0x5e: {  	_ =	shalt  }
0x5f: {  	_ =	shalt  }
0x60: {  	_ =	shalt  }
0x61: {  	_ =	shalt  }
0x62: {  	_ =	shalt  }
0x63: {  	_ =	shalt  }
0x64: {  	_ =	shalt  }
0x65: {  	_ =	shalt  }
0x66: {  	_ =	shalt  }
0x67: {  	_ =	shalt  }
0x68: {  	_ =	shalt  }
0x69: {  	_ =	shalt  }
0x6a: {  	_ =	shalt  }
0x6b: {  	_ =	shalt  }
0x6c: {  	_ =	shalt  }
0x6d: {  	_ =	shalt  }
0x6e: {  	_ =	shalt  }
0x6f: {  	_ =	shalt  }
0x70: {  	_ =	shalt  }
0x71: {  	_ =	shalt  }
0x72: {  	_ =	shalt  }
0x73: {  	_ =	shalt  }
0x74: {  	_ =	shalt  }
0x75: {  	_ =	shalt  }
0x76: {  	_ =	shalt  }
0x77: {  	_ =	shalt  }
0x78: {  	_ =	shalt  }
0x79: {  	_ =	shalt  }
0x7a: {  	_ =	shalt  }
0x7b: {  	_ =	shalt  }
0x7c: {  	_ =	shalt  }
0x7d: {  	_ =	shalt  }
0x7e: {  	_ =	shalt  }
0x7f: {  	_ =	shalt  }
0x80: {  	_ =	shalt  }
0x81: {  	_ =	shalt  }
0x82: {  	_ =	shalt  }
0x83: {  	_ =	shalt  }
0x84: {  	_ =	shalt  }
0x85: {  	_ =	shalt  }
0x86: {  	_ =	shalt  }
0x87: {  	_ =	shalt  }
.Lfunc_end0:
.L_simem_size_0:
called_computation_lowered:
.L_overlay_start_0:
0x88: {  	s2 =	sld [smem:$0x3FD9]  }
0x89: {  	s3 =	sld [smem:$0x3FFE];
	_ =	sdelay $0x1  }
0x8a: {  	s1 =	srdreg.scid  }
0x8b: {  	s0 =	sand.u32 $0x1, s1  }
0x8c: {  	s17 =	sshll.u32 s0, $0xA;
	s2 =	sadd.s32 s3, s2  }
0x8d: {  	s2 =	sadd.s32 s2, s17  }
0x8e: {  	[smem:$0x3FC2] =	sst s2  }
0x8f: {  	_ = 	snop  }
0x90: {  	s2 =	sld [smem:$0x3FC9]  }
0x91: {  	s18 =	sld [smem:$0x3FC8];
	(tm) =	ssettm $0x1  }
0x92: {  	s4 =	sld [smem:$0x3FFB];
	_ =	sdelay $0x3  }
0x93: {  	_ =	strace s4  }
0x94: {  	s4 =	sld [smem:$0x3FFC];
	_ =	sdelay $0x3  }
0x95: {  	_ =	strace s4  }
0x96: {  	s4 =	sld [smem:$0x3FFD];
	_ =	sdelay $0x3  }
0x97: {  	_ =	strace s4  }
0x98: {  	_ =	strace $0x8FFFFFFF  }
0x99: {  	s19 =	sld [smem:$0x3FDB];
	_ =	sdelay $0x1  }
0x9a: {  	s5 =	simm.s32 $_scs_section_size  }
0x9b: {  	s6 =	simm.s32 $_size__tile_overlayer_lowered;
	s7 =	simm.s32 $_tile_overlayer_lowered  }
0x9c: {  	s22 =	simm.s32 $0x1BFF;
	s21 =	sshll.u32 s7, $0x1;
	s4 =	sadd.s32 s5, s19  }
0x9d: {  	s8 =	simm.s32 $0x0;
	s20 =	sshll.u32 s6, $0x1;
	s6 =	sadd.s32 s21, s4  }
0x9e: {  	[timem:s8], [sflag:s22] =	dma.local [hbm:s6], s20  }
0x9f: {  	_ =	swait.ge [sflag:s22], s20  }
0xa0: {  	s5 =	ssub.s32 $0x0, s20;
	[sflag:s22] =	ssyncset.done $0x0  }
0xa1: {  	[sflag:s22] =	ssyncadd.s32 s5;
	_ =	sdelay $0x1  }
0xa2: {  	s23 =	simm.s32 $0x1B8B  }
0xa3: {  	_ =	swait.ge [sflag:s23], $0x1  }
0xa4: {  	[sflag:s23] =	ssyncset.done $0x0  }
0xa5: {  	s25 =	simm.s32 $0x1B8E;
	s24 =	sld [smem:$0x3FFE];
	[sflag:s23] =	ssyncadd.s32 $0xFFFFFFFF  }
0xa6: {  	s26 =	simm.s32 $execute0_lowered;
	[smem:$0x3FD2] =	sst s25  }
0xa7: {  	s6 =	sshll.u32 s26, $0x1;
	_ =	strace $0x80000046;
	[dreg:$0x1] =	wrdreg $0xFFFFFFFF  }
0xa8: {  	s28 =	simm.s32 $_size_execute0_lowered;
	s4 =	sadd.s32 s4, s6;
	[dreg:$0x0] =	wrdreg $0x0  }
0xa9: {  	s6 =	sshll.u32 s28, $0x1;
	[dreg:$0x2] =	wrdreg s4  }
0xaa: {  	[dreg:$0x3] =	wrdreg s6  }
0xab: {  	[dreg:$0x4] =	wrdreg $0xC0  }
0xac: {  	_ =	task [dreg:s8], $0x5FFFF  }
0xad: {  	[dreg:$0x1] =	wrdreg $0xFFFFFFFF  }
0xae: {  	[dreg:$0x0] =	wrdreg $0x60  }
0xaf: {  	[dreg:$0x2] =	wrdreg s2  }
0xb0: {  	[dreg:$0x3] =	wrdreg s18  }
0xb1: {  	[dreg:$0x4] =	wrdreg s24  }
0xb2: {  	[dreg:$0x5] =	wrdreg $0xC0000  }
0xb3: {  	[dreg:$0x6] =	wrdreg $0x9  }
0xb4: {  	_ =	task.clear_ibuf [dreg:s8], $0x7FFFF;
	_ =	strace $0x90000046  }
0xb5: {  	s29 =	simm.s32 $0x9;
	_ =	strace $0x80000048  }
0xb6: {  	_ =	swait.ge [sflag:s29], $0x1  }
0xb7: {  	[sflag:s29] =	ssyncadd.s32 $0xFFFFFFFF  }
0xb8: {  	_ =	strace $0x90000048  }
0xb9: {  	_ =	sfence  }
0xba: {  	s30 =	sld [smem:$0x0];
	_ =	sdelay $0x2  }
0xbb: {  	s31 =	sshll.u32 s1, $0xD;
	s1 =	sshrl.u32 s1, $0x2  }
0xbc: {  	s3 =	sand.u32 $0x4000, s31;
	s1 =	sadd.s32 s1, s30  }
0xbd: {  	s0 =	sor.u32 s3, s0;
	s1 =	sshll.u32 s1, $0x11  }
0xbe: {  	s0 =	sor.u32 s1, s0  }
0xbf: {  	s0 =	sadd.s32 $0x8F2B, s0  }
0xc0: {  	[sflag:s0] =	ssyncadd.remote.s32 $0x1  }
0xc1: {  	_ =	sfence.sel $0xFFFF  }
0xc2: {  	[dreg:$0x0] =	wrdreg $0xFFFFFFFF;
	(pc) =	sbr.abs _section_cstart, $3  }
0xc3: {  	[dreg:$0x1] =	wrdreg $0xFFFFFFFF  }
0xc4: {  	_ =	task.clear_ibuf [dreg:s8], $0x2FFFF;
	_ =	strace $0x9FFFFFFF  }
0xc5: {  	(tm) =	ssettm $0x7FFFFFFF  }
tec
execute0_lowered:
.L_overlay_start_1:
0x0: {  	(tag) =	ssettag $0x1  }
0x1: {  	s1 =	rddreg [dreg:$0x0]  }
0x2: {  	s2 =	rddreg [dreg:$0x1]  }
0x3: {  	s0 =	rddreg [dreg:$0x2]  }
0x4: {  	s4 =	rddreg [dreg:$0x3];
	s16 =	simm.s32 $0x0;
	s12 =	stileid.u32  }
0x5: {  	s5 =	srdreg.scid;
	s17 =	simm.s32 $0x9;
	s18 =	simm.s32 $0x2000  }
0x6: {  	s19 =	simm.s32 $0x40;
	s20 =	simm.s32 $0x4000;
	s22 =	simm.s32 $0x6000  }
0x7: {  	s28 =	simm.s32 $0xA000;
	s29 =	simm.s32 $0x2;
	s31 =	simm.s32 $0x5  }
0x8: {  	s13 =	simm.s32 $0x2180;
	s14 =	simm.s32 $0x300;
	s3 =	smul.u32 $0x1400, s12  }
0x9: {  	s15 =	simm.s32 $0x8;
	[smem:$0x7FF] =	sst s16;
	s8 =	smul.u32 $0x2780, s12  }
0xa: {  	s5 =	sand.u32 $0x1, s5;
	s6 =	smul.u32 $0x4F000, s12;
	s7 =	sadd.s32 $0x28200, s0  }
0xb: {  	s11 =	sadd.s32 $0x128400, s4;
	s26 =	sadd.s32 $0x4FA80, s0;
	p1 =	seq.s32 s12, $0xF  }
0xc: {  	_ =	strace $0x80000047;
	[dreg:$0x7] =	wrdreg s7;
	s23 =	ssub.s32 $0x2, s5  }
0xd: {  	p0 =	seq.s32 s5, $0x1;
	[dreg:$0x9] =	wrdreg s26;
	s21 =	sshrl.u32 @p1 s11, $0x3  }
0xe: {  	s11 =	simm.s32 $0x6;
	s3 =	sadd.s32 s3, s0;
	[dreg:$0x6] =	wrdreg s8  }
0xf: {  	s10 =	sadd.s32 s8, s0;
	s24 =	sshrl.u32 s23, $0x1;
	s6 =	sshrl.u32 s6, $0x2  }
0x10: {  	s0 =	sadd.s32 $0x51B00, s0;
	[dreg:$0xc] =	wrdreg s21;
	s7 =	ssub.s32 s23, s24  }
0x11: {  	s6 =	sadd.s32 s6, s4;
	s8 =	sadd.s32 $0x200, s3;
	s9 =	sadd.s32 $0x14200, s3  }
0x12: {  	s25 =	sadd.s32 $0x2AA00, s10;
	[dreg:$0xa] =	wrdreg s0;
	s0 =	sshll.u32 @!p1 s12, $0x6  }
.Ltmp0:
0x13: {  	s24 =	simm.s32 $0x8000;
	s3 =	simm.s32 $0x3;
	(pc) =	sbr.rel .LBB2_1-.Ltmp0, $4  }
0x14: {  	s10 =	simm.s32 $0x2100;
	[dreg:$0x8] =	wrdreg s25;
	s30 =	smax.u32 s7, $0x1  }
0x15: {  	s12 =	simm.s32 $0x4;
	s23 =	sor.u32 @!p1 $0x1C09, s0;
	[dreg:$0xb] =	wrdreg s30  }
0x16: {  	s26 =	sshrl.u32 @!p1 s6, $0x3;
	s25 =	simm.s32 $0x1;
	[dreg:$0xd] =	wrdreg s23  }
0x17: {  	s6 =	simm.s32 $0x280;
	s7 =	simm.s32 $0x7;
	[dreg:$0xe] =	wrdreg s26  }
.LBB2_11:
0x18: {  	[bflag:$0x0] =	sbarrier.arrive $0xFFFF  }
0x19: {  	s16 =	rddreg [dreg:$0xa]  }
0x1a: {  	s5 =	simm.s32 @p1 $0x1FC9;
	s21 =	rddreg [dreg:$0xc];
	s0 =	sadd.s32 @p1 $0x25080, s16  }
0x1b: {  	[hbm:s0], [sflag:s5] =	dma.local @p1 [spmem:s21], $0x2080  }
0x1c: {  	s0 =	simm.s32 @p1 $0x9  }
0x1d: {  	_ =	swait.ge @p1 [sflag:s0], $0x2080  }
0x1e: {  	[sflag:s0] =	ssyncset.done @p1 $0x0;
	s23 =	rddreg [dreg:$0xd]  }
0x1f: {  	[sflag:s0] =	ssyncadd.s32 @p1 $0xFFFFDF80;
	s0 =	rddreg [dreg:$0x6]  }
0x20: {  	s26 =	rddreg [dreg:$0xe];
	s0 =	sadd.s32 @!p1 s0, s16  }
0x21: {  	[hbm:s0], [sflag:s23] =	dma.local @!p1 [spmem:s26], $0x2780  }
0x22: {  	s0 =	simm.s32 @!p1 $0x9  }
0x23: {  	_ =	swait.ge @!p1 [sflag:s0], $0x2780  }
0x24: {  	[sflag:s0] =	ssyncset.done @!p1 $0x0  }
0x25: {  	s16 =	rddreg [dreg:$0x5];
	[sflag:s0] =	ssyncadd.s32 @!p1 $0xFFFFD880  }
.LBB2_12:
0x26: {  	s16 =	sadd.s32 $0x1, s16;
	s0 =	rddreg [dreg:$0xb]  }
0x27: {  	p2 =	sne.s32 s16, s0  }
.Ltmp1:
0x28: {  	_ = 	snop;
	(pc) =	sbr.rel @!p2 .LBB2_13-.Ltmp1, $1  }
0x29: {  	_ =	sdelay $0x3  }
.LBB2_1:
0x2a: {  	[dreg:$0x5] =	wrdreg s16  }
0x2b: {  	s5 =	simm.s32 @p1 $0x1FC9;
	s0 =	rddreg [dreg:$0x7]  }
0x2c: {  	[spmem:s21], [sflag:s5] =	dma.local @p1 [hbm:s0], $0x2100  }
0x2d: {  	s5 =	simm.s32 @p1 $0x9  }
0x2e: {  	_ =	swait.ge @p1 [sflag:s5], $0x2100  }
0x2f: {  	[sflag:s5] =	ssyncset.done @p1 $0x0  }
0x30: {  	[sflag:s5] =	ssyncadd.s32 @p1 $0xFFFFDF00;
	s5 =	simm.s32 @!p1 $0x9  }
0x31: {  	[spmem:s26], [sflag:s23] =	dma.local @!p1 [hbm:s0], $0x2780  }
.Ltmp2:
0x32: {  	_ =	swait.ge @!p1 [sflag:s5], $0x2780;
	(pc) =	sbr.rel @p0 .LBB2_7-.Ltmp2, $4  }
.Ltmp3:
0x33: {  	[sflag:s5] =	ssyncset.done @!p1 $0x0;
	(pc) =	sbr.rel @!p0 .LBB2_2-.Ltmp3, $4  }
0x34: {  	[sflag:s5] =	ssyncadd.s32 @!p1 $0xFFFFD880  }
0x35: {  	[bflag:$0x0] =	sbarrier.arrive $0xFFFF  }
0x36: {  	s16 =	simm.s32 $0x0;
	s5 =	simm.s32 $0x0  }
0x37: {  	_ = 	snop  }
.LBB2_10:
0x38: {  	_ =	swait.ge [sflag:s31], $0x2000  }
0x39: {  	[sflag:s31] =	ssyncset.done $0x0  }
0x3a: {  	[sflag:s31] =	ssyncadd.s32 $0xFFFFE000  }
0x3b: {  	_ =	swait.ge [sflag:s11], $0x2000  }
0x3c: {  	[sflag:s11] =	ssyncset.done $0x0  }
0x3d: {  	s5 =	sadd.s32 $0x1, s5;
	[sflag:s11] =	ssyncadd.s32 $0xFFFFE000  }
0x3e: {  	p2 =	sne.s32 s5, $0x5;
	_ =	swait.ge [sflag:s7], $0x2000  }
.Ltmp4:
0x3f: {  	[sflag:s7] =	ssyncset.done $0x0;
	(pc) =	sbr.rel @!p2 .LBB2_11-.Ltmp4, $4  }
0x40: {  	[sflag:s7] =	ssyncadd.s32 $0xFFFFE000  }
0x41: {  	_ =	swait.ge [sflag:s15], $0x2000  }
0x42: {  	[sflag:s15] =	ssyncset.done $0x0  }
0x43: {  	[sflag:s15] =	ssyncadd.s32 $0xFFFFE000  }
.LBB2_7:
0x44: {  	s0 =	sshll.u32 s5, $0xA  }
0x45: {  	s16 =	simm.s32 $0x0;
	s21 =	sadd.s32 s0, s8  }
0x46: {  	[tilespmem:s16], [sflag:$0x9] =	stream.linear.gather [hbm4b:s21+s16], $0x2000, $0x38;
	[tilespmem:$0x1F8C0] =	vst v63  }
0x47: {  	_ =	swait.ge [sflag:s17], $0x2000  }
0x48: {  	[sflag:s17] =	ssyncset.done $0x0  }
0x49: {  	s0 =	sadd.s32 s0, s9;
	[sflag:s17] =	ssyncadd.s32 $0xFFFFE000  }
0x4a: {  	[tilespmem:s18], [sflag:$0x9] =	stream.linear.gather [hbm4b:s0+s16], $0x2000, $0x38;
	[tilespmem:$0x1F8C0] =	vst v63  }
0x4b: {  	_ =	swait.ge [sflag:s17], $0x2000  }
0x4c: {  	[sflag:s17] =	ssyncset.done $0x0  }
0x4d: {  	[sflag:s17] =	ssyncadd.s32 $0xFFFFE000  }
0x4e: {  	[tilespmem:s20], [sflag:$0x1] =	stream.indirect.gather [hbm4b:s2+s19], $0x80, s16, s19, $0xb8;
	[tilespmem:$0x1F8C0] =	vst v63  }
0x4f: {  	s30 =	simm.s32 $0x80  }
0x50: {  	[tilespmem:s22], [sflag:$0x2] =	stream.indirect.gather [hbm4b:s2+s19], $0x80, s30, s19, $0xb8;
	[tilespmem:$0x1F8C0] =	vst v63  }
0x51: {  	s21 =	simm.s32 $0x100  }
0x52: {  	[tilespmem:s24], [sflag:$0x3] =	stream.indirect.gather [hbm4b:s2+s19], $0x80, s21, s19, $0xb8;
	[tilespmem:$0x1F8C0] =	vst v63  }
0x53: {  	_ =	swait.ge [sflag:s25], $0x2000  }
0x54: {  	[sflag:s25] =	ssyncset.done $0x0  }
0x55: {  	[sflag:s25] =	ssyncadd.s32 $0xFFFFE000  }
0x56: {  	[spmem:s4] =	stream.indirect.scatter.add.f32 [tilespmem:s20], [sflag:$0x5], $0x80, s18, s19, $0xb8;
	[tilespmem:$0x1F8C0] =	vst v63  }
0x57: {  	s23 =	simm.s32 $0x180  }
0x58: {  	[tilespmem:s28], [sflag:$0x4] =	stream.indirect.gather [hbm4b:s2+s19], $0x80, s23, s19, $0xb8;
	[tilespmem:$0x1F8C0] =	vst v63  }
0x59: {  	_ =	swait.ge [sflag:s29], $0x2000  }
0x5a: {  	[sflag:s29] =	ssyncset.done $0x0  }
0x5b: {  	s26 =	simm.s32 $0x2080;
	[sflag:s29] =	ssyncadd.s32 $0xFFFFE000  }
0x5c: {  	[spmem:s4] =	stream.indirect.scatter.add.f32 [tilespmem:s22], [sflag:$0x6], $0x80, s26, s19, $0xb8;
	[tilespmem:$0x1F8C0] =	vst v63  }
0x5d: {  	_ =	swait.ge [sflag:s31], $0x2000  }
0x5e: {  	[sflag:s31] =	ssyncset.done $0x0  }
0x5f: {  	s30 =	simm.s32 $0x200;
	[sflag:s31] =	ssyncadd.s32 $0xFFFFE000  }
0x60: {  	[tilespmem:s20], [sflag:$0x1] =	stream.indirect.gather [hbm4b:s2+s19], $0x80, s30, s19, $0xb8;
	[tilespmem:$0x1F8C0] =	vst v63  }
0x61: {  	_ =	swait.ge [sflag:s3], $0x2000  }
0x62: {  	[sflag:s3] =	ssyncset.done $0x0  }
0x63: {  	[sflag:s3] =	ssyncadd.s32 $0xFFFFE000  }
0x64: {  	[spmem:s4] =	stream.indirect.scatter.add.f32 [tilespmem:s24], [sflag:$0x7], $0x80, s10, s19, $0xb8;
	[tilespmem:$0x1F8C0] =	vst v63  }
0x65: {  	_ =	swait.ge [sflag:s11], $0x2000  }
0x66: {  	[sflag:s11] =	ssyncset.done $0x0  }
0x67: {  	[sflag:s11] =	ssyncadd.s32 $0xFFFFE000  }
0x68: {  	[tilespmem:s22], [sflag:$0x2] =	stream.indirect.gather [hbm4b:s2+s19], $0x80, s6, s19, $0xb8;
	[tilespmem:$0x1F8C0] =	vst v63  }
0x69: {  	_ =	swait.ge [sflag:s12], $0x2000  }
0x6a: {  	[sflag:s12] =	ssyncset.done $0x0  }
0x6b: {  	[sflag:s12] =	ssyncadd.s32 $0xFFFFE000  }
0x6c: {  	[spmem:s4] =	stream.indirect.scatter.add.f32 [tilespmem:s28], [sflag:$0x8], $0x80, s13, s19, $0xb8;
	[tilespmem:$0x1F8C0] =	vst v63  }
0x6d: {  	_ =	swait.ge [sflag:s7], $0x2000  }
0x6e: {  	[sflag:s7] =	ssyncset.done $0x0  }
0x6f: {  	[sflag:s7] =	ssyncadd.s32 $0xFFFFE000  }
0x70: {  	[tilespmem:s24], [sflag:$0x3] =	stream.indirect.gather [hbm4b:s2+s19], $0x80, s14, s19, $0xb8;
	[tilespmem:$0x1F8C0] =	vst v63  }
.LBB2_8:
0x71: {  	_ =	swait.ge [sflag:s25], $0x2000  }
0x72: {  	s21 =	sshra.s32 s16, $0x2;
	[sflag:s25] =	ssyncset.done $0x0  }
0x73: {  	s0 =	sadd.s32 $0x2200, s21;
	[sflag:s25] =	ssyncadd.s32 $0xFFFFE000  }
0x74: {  	[spmem:s4] =	stream.indirect.scatter.add.f32 [tilespmem:s20], [sflag:$0x5], $0x80, s0, s19, $0xb8;
	[tilespmem:$0x1F8C0] =	vst v63  }
0x75: {  	_ =	swait.ge [sflag:s15], $0x2000  }
0x76: {  	[sflag:s15] =	ssyncset.done $0x0  }
0x77: {  	s23 =	sadd.s32 $0x380, s21;
	[sflag:s15] =	ssyncadd.s32 $0xFFFFE000  }
0x78: {  	[tilespmem:s28], [sflag:$0x4] =	stream.indirect.gather [hbm4b:s2+s19], $0x80, s23, s19, $0xb8;
	[tilespmem:$0x1F8C0] =	vst v63  }
0x79: {  	_ =	swait.ge [sflag:s29], $0x2000  }
0x7a: {  	p2 =	seq.s32 s16, $0x7000;
	[sflag:s29] =	ssyncset.done $0x0  }
0x7b: {  	s26 =	sadd.s32 $0x2280, s21;
	s0 =	simm.s32 @p2 $0x3;
	[sflag:s29] =	ssyncadd.s32 $0xFFFFE000  }
0x7c: {  	[spmem:s4] =	stream.indirect.scatter.add.f32 [tilespmem:s22], [sflag:$0x6], $0x80, s26, s19, $0xb8;
	[tilespmem:$0x1F8C0] =	vst v63  }
0x7d: {  	_ =	swait.ge @p2 [sflag:s0], $0x2000  }
0x7e: {  	[sflag:s0] =	ssyncset.done @p2 $0x0  }
0x7f: {  	[sflag:s0] =	ssyncadd.s32 @p2 $0xFFFFE000;
	s0 =	sshra.s32 @p2 s16, $0x2  }
0x80: {  	s23 =	simm.s32 @p2 $0x40;
	s26 =	simm.s32 @p2 $0x8000;
	s0 =	sadd.s32 @p2 $0x2300, s0  }
0x81: {  	[spmem:s4] =	stream.indirect.scatter.add.f32 @p2 [tilespmem:s26], [sflag:$0x7], $0x80, s0, s23, $0xb8;
	[tilespmem:$0x1F8C0] =	vst v63  }
0x82: {  	s0 =	simm.s32 @!p2 $0x5  }
0x83: {  	_ =	swait.ge @!p2 [sflag:s0], $0x2000  }
0x84: {  	[sflag:s0] =	ssyncset.done @!p2 $0x0  }
0x85: {  	[sflag:s0] =	ssyncadd.s32 @!p2 $0xFFFFE000;
	s0 =	sshra.s32 @!p2 s16, $0x2  }
0x86: {  	s30 =	simm.s32 @!p2 $0x4000;
	s26 =	simm.s32 @!p2 $0x40;
	s23 =	sadd.s32 @!p2 $0x400, s0  }
0x87: {  	[tilespmem:s30], [sflag:$0x1] =	stream.indirect.gather @!p2 [hbm4b:s2+s26], $0x80, s23, s26, $0xb8;
	[tilespmem:$0x1F8C0] =	vst v63  }
0x88: {  	s23 =	simm.s32 @!p2 $0x3  }
0x89: {  	_ =	swait.ge @!p2 [sflag:s23], $0x2000  }
0x8a: {  	[sflag:s23] =	ssyncset.done @!p2 $0x0  }
0x8b: {  	s30 =	simm.s32 @!p2 $0x8000;
	[sflag:s23] =	ssyncadd.s32 @!p2 $0xFFFFE000;
	s23 =	sadd.s32 @!p2 $0x2300, s0  }
0x8c: {  	[spmem:s4] =	stream.indirect.scatter.add.f32 @!p2 [tilespmem:s30], [sflag:$0x7], $0x80, s23, s26, $0xb8;
	[tilespmem:$0x1F8C0] =	vst v63  }
0x8d: {  	s23 =	simm.s32 @!p2 $0x6  }
0x8e: {  	_ =	swait.ge @!p2 [sflag:s23], $0x2000  }
0x8f: {  	[sflag:s23] =	ssyncset.done @!p2 $0x0  }
0x90: {  	s0 =	sadd.s32 @!p2 $0x480, s0;
	[sflag:s23] =	ssyncadd.s32 @!p2 $0xFFFFE000;
	s23 =	simm.s32 @!p2 $0x6000  }
0x91: {  	[tilespmem:s23], [sflag:$0x2] =	stream.indirect.gather @!p2 [hbm4b:s2+s26], $0x80, s0, s26, $0xb8;
	[tilespmem:$0x1F8C0] =	vst v63  }
.Ltmp5:
0x92: {  	_ = 	snop;
	(pc) =	sbr.rel @p2 .LBB2_10-.Ltmp5, $4  }
0x93: {  	_ =	swait.ge [sflag:s12], $0x2000  }
0x94: {  	[sflag:s12] =	ssyncset.done $0x0  }
0x95: {  	s30 =	sadd.s32 $0x2380, s21;
	[sflag:s12] =	ssyncadd.s32 $0xFFFFE000  }
0x96: {  	[spmem:s4] =	stream.indirect.scatter.add.f32 [tilespmem:s28], [sflag:$0x8], $0x80, s30, s19, $0xb8;
	[tilespmem:$0x1F8C0] =	vst v63  }
.Ltmp6:
0x97: {  	(pc) =	sbr.rel .LBB2_8-.Ltmp6, $4  }
0x98: {  	_ =	swait.ge [sflag:s7], $0x2000  }
0x99: {  	[sflag:s7] =	ssyncset.done $0x0  }
0x9a: {  	s0 =	sadd.s32 $0x500, s21;
	s16 =	sadd.s32 $0x800, s16;
	[sflag:s7] =	ssyncadd.s32 $0xFFFFE000  }
0x9b: {  	[tilespmem:s24], [sflag:$0x3] =	stream.indirect.gather [hbm4b:s2+s19], $0x80, s0, s19, $0xb8;
	[tilespmem:$0x1F8C0] =	vst v63  }
.LBB2_5:
0x9c: {  	_ =	swait.ge [sflag:s31], $0x2000  }
0x9d: {  	[sflag:s31] =	ssyncset.done $0x0  }
0x9e: {  	[sflag:s31] =	ssyncadd.s32 $0xFFFFE000  }
0x9f: {  	_ =	swait.ge [sflag:s11], $0x2000  }
0xa0: {  	[sflag:s11] =	ssyncset.done $0x0  }
0xa1: {  	s16 =	sadd.s32 $0x1, s16;
	[sflag:s11] =	ssyncadd.s32 $0xFFFFE000  }
0xa2: {  	p2 =	sne.s32 s16, $0x5;
	_ =	swait.ge [sflag:s7], $0x2000  }
.Ltmp7:
0xa3: {  	[sflag:s7] =	ssyncset.done $0x0;
	(pc) =	sbr.rel @!p2 .LBB2_6-.Ltmp7, $4  }
0xa4: {  	[sflag:s7] =	ssyncadd.s32 $0xFFFFE000  }
0xa5: {  	_ =	swait.ge [sflag:s15], $0x2000  }
0xa6: {  	[sflag:s15] =	ssyncset.done $0x0  }
0xa7: {  	[sflag:s15] =	ssyncadd.s32 $0xFFFFE000  }
.LBB2_2:
0xa8: {  	s21 =	sshll.u32 s16, $0xA  }
0xa9: {  	s5 =	simm.s32 $0x0;
	s23 =	sadd.s32 s21, s8  }
0xaa: {  	[tilespmem:s5], [sflag:$0x9] =	stream.linear.gather [hbm4b:s23+s5], $0x2000, $0x38;
	[tilespmem:$0x1F8C0] =	vst v63  }
0xab: {  	_ =	swait.ge [sflag:s17], $0x2000  }
0xac: {  	[sflag:s17] =	ssyncset.done $0x0  }
0xad: {  	s21 =	sadd.s32 s21, s9;
	[sflag:s17] =	ssyncadd.s32 $0xFFFFE000  }
0xae: {  	[tilespmem:s18], [sflag:$0x9] =	stream.linear.gather [hbm4b:s21+s5], $0x2000, $0x38;
	[tilespmem:$0x1F8C0] =	vst v63  }
0xaf: {  	_ =	swait.ge [sflag:s17], $0x2000  }
0xb0: {  	[sflag:s17] =	ssyncset.done $0x0  }
0xb1: {  	[sflag:s17] =	ssyncadd.s32 $0xFFFFE000  }
0xb2: {  	[tilespmem:s20], [sflag:$0x1] =	stream.indirect.gather [hbm4b:s1+s19], $0x80, s5, s19, $0xb8;
	[tilespmem:$0x1F8C0] =	vst v63  }
0xb3: {  	s0 =	simm.s32 $0x80  }
0xb4: {  	[tilespmem:s22], [sflag:$0x2] =	stream.indirect.gather [hbm4b:s1+s19], $0x80, s0, s19, $0xb8;
	[tilespmem:$0x1F8C0] =	vst v63  }
0xb5: {  	s21 =	simm.s32 $0x100  }
0xb6: {  	[tilespmem:s24], [sflag:$0x3] =	stream.indirect.gather [hbm4b:s1+s19], $0x80, s21, s19, $0xb8;
	[tilespmem:$0x1F8C0] =	vst v63  }
0xb7: {  	_ =	swait.ge [sflag:s25], $0x2000  }
0xb8: {  	[sflag:s25] =	ssyncset.done $0x0  }
0xb9: {  	[sflag:s25] =	ssyncadd.s32 $0xFFFFE000  }
0xba: {  	[spmem:s4] =	stream.indirect.scatter.add.f32 [tilespmem:s20], [sflag:$0x5], $0x80, s18, s19, $0xb8;
	[tilespmem:$0x1F8C0] =	vst v63  }
0xbb: {  	s23 =	simm.s32 $0x180  }
0xbc: {  	[tilespmem:s28], [sflag:$0x4] =	stream.indirect.gather [hbm4b:s1+s19], $0x80, s23, s19, $0xb8;
	[tilespmem:$0x1F8C0] =	vst v63  }
0xbd: {  	_ =	swait.ge [sflag:s29], $0x2000  }
0xbe: {  	[sflag:s29] =	ssyncset.done $0x0  }
0xbf: {  	s26 =	simm.s32 $0x2080;
	[sflag:s29] =	ssyncadd.s32 $0xFFFFE000  }
0xc0: {  	[spmem:s4] =	stream.indirect.scatter.add.f32 [tilespmem:s22], [sflag:$0x6], $0x80, s26, s19, $0xb8;
	[tilespmem:$0x1F8C0] =	vst v63  }
0xc1: {  	_ =	swait.ge [sflag:s31], $0x2000  }
0xc2: {  	[sflag:s31] =	ssyncset.done $0x0  }
0xc3: {  	s30 =	simm.s32 $0x200;
	[sflag:s31] =	ssyncadd.s32 $0xFFFFE000  }
0xc4: {  	[tilespmem:s20], [sflag:$0x1] =	stream.indirect.gather [hbm4b:s1+s19], $0x80, s30, s19, $0xb8;
	[tilespmem:$0x1F8C0] =	vst v63  }
0xc5: {  	_ =	swait.ge [sflag:s3], $0x2000  }
0xc6: {  	[sflag:s3] =	ssyncset.done $0x0  }
0xc7: {  	[sflag:s3] =	ssyncadd.s32 $0xFFFFE000  }
0xc8: {  	[spmem:s4] =	stream.indirect.scatter.add.f32 [tilespmem:s24], [sflag:$0x7], $0x80, s10, s19, $0xb8;
	[tilespmem:$0x1F8C0] =	vst v63  }
0xc9: {  	_ =	swait.ge [sflag:s11], $0x2000  }
0xca: {  	[sflag:s11] =	ssyncset.done $0x0  }
0xcb: {  	[sflag:s11] =	ssyncadd.s32 $0xFFFFE000  }
0xcc: {  	[tilespmem:s22], [sflag:$0x2] =	stream.indirect.gather [hbm4b:s1+s19], $0x80, s6, s19, $0xb8;
	[tilespmem:$0x1F8C0] =	vst v63  }
0xcd: {  	_ =	swait.ge [sflag:s12], $0x2000  }
0xce: {  	[sflag:s12] =	ssyncset.done $0x0  }
0xcf: {  	[sflag:s12] =	ssyncadd.s32 $0xFFFFE000  }
0xd0: {  	[spmem:s4] =	stream.indirect.scatter.add.f32 [tilespmem:s28], [sflag:$0x8], $0x80, s13, s19, $0xb8;
	[tilespmem:$0x1F8C0] =	vst v63  }
0xd1: {  	_ =	swait.ge [sflag:s7], $0x2000  }
0xd2: {  	[sflag:s7] =	ssyncset.done $0x0  }
0xd3: {  	[sflag:s7] =	ssyncadd.s32 $0xFFFFE000  }
0xd4: {  	[tilespmem:s24], [sflag:$0x3] =	stream.indirect.gather [hbm4b:s1+s19], $0x80, s14, s19, $0xb8;
	[tilespmem:$0x1F8C0] =	vst v63  }
.LBB2_3:
0xd5: {  	_ =	swait.ge [sflag:s25], $0x2000  }
0xd6: {  	s21 =	sshra.s32 s5, $0x2;
	[sflag:s25] =	ssyncset.done $0x0  }
0xd7: {  	s23 =	sadd.s32 $0x2200, s21;
	[sflag:s25] =	ssyncadd.s32 $0xFFFFE000  }
0xd8: {  	[spmem:s4] =	stream.indirect.scatter.add.f32 [tilespmem:s20], [sflag:$0x5], $0x80, s23, s19, $0xb8;
	[tilespmem:$0x1F8C0] =	vst v63  }
0xd9: {  	_ =	swait.ge [sflag:s15], $0x2000  }
0xda: {  	[sflag:s15] =	ssyncset.done $0x0  }
0xdb: {  	s0 =	sadd.s32 $0x380, s21;
	[sflag:s15] =	ssyncadd.s32 $0xFFFFE000  }
0xdc: {  	[tilespmem:s28], [sflag:$0x4] =	stream.indirect.gather [hbm4b:s1+s19], $0x80, s0, s19, $0xb8;
	[tilespmem:$0x1F8C0] =	vst v63  }
0xdd: {  	_ =	swait.ge [sflag:s29], $0x2000  }
0xde: {  	p2 =	seq.s32 s5, $0x7000;
	[sflag:s29] =	ssyncset.done $0x0  }
0xdf: {  	s26 =	sadd.s32 $0x2280, s21;
	s23 =	simm.s32 @p2 $0x3;
	[sflag:s29] =	ssyncadd.s32 $0xFFFFE000  }
0xe0: {  	[spmem:s4] =	stream.indirect.scatter.add.f32 [tilespmem:s22], [sflag:$0x6], $0x80, s26, s19, $0xb8;
	[tilespmem:$0x1F8C0] =	vst v63  }
0xe1: {  	_ =	swait.ge @p2 [sflag:s23], $0x2000  }
0xe2: {  	[sflag:s23] =	ssyncset.done @p2 $0x0  }
0xe3: {  	[sflag:s23] =	ssyncadd.s32 @p2 $0xFFFFE000;
	s23 =	sshra.s32 @p2 s5, $0x2  }
0xe4: {  	s30 =	simm.s32 @p2 $0x8000;
	s26 =	simm.s32 @p2 $0x40;
	s23 =	sadd.s32 @p2 $0x2300, s23  }
0xe5: {  	[spmem:s4] =	stream.indirect.scatter.add.f32 @p2 [tilespmem:s30], [sflag:$0x7], $0x80, s23, s26, $0xb8;
	[tilespmem:$0x1F8C0] =	vst v63  }
0xe6: {  	s23 =	simm.s32 @!p2 $0x5  }
0xe7: {  	_ =	swait.ge @!p2 [sflag:s23], $0x2000  }
0xe8: {  	[sflag:s23] =	ssyncset.done @!p2 $0x0  }
0xe9: {  	[sflag:s23] =	ssyncadd.s32 @!p2 $0xFFFFE000;
	s23 =	sshra.s32 @!p2 s5, $0x2  }
0xea: {  	s0 =	simm.s32 @!p2 $0x4000;
	s30 =	simm.s32 @!p2 $0x40;
	s26 =	sadd.s32 @!p2 $0x400, s23  }
0xeb: {  	[tilespmem:s0], [sflag:$0x1] =	stream.indirect.gather @!p2 [hbm4b:s1+s30], $0x80, s26, s30, $0xb8;
	[tilespmem:$0x1F8C0] =	vst v63  }
0xec: {  	s0 =	simm.s32 @!p2 $0x3  }
0xed: {  	_ =	swait.ge @!p2 [sflag:s0], $0x2000  }
0xee: {  	[sflag:s0] =	ssyncset.done @!p2 $0x0  }
0xef: {  	s26 =	simm.s32 @!p2 $0x8000;
	[sflag:s0] =	ssyncadd.s32 @!p2 $0xFFFFE000;
	s0 =	sadd.s32 @!p2 $0x2300, s23  }
0xf0: {  	[spmem:s4] =	stream.indirect.scatter.add.f32 @!p2 [tilespmem:s26], [sflag:$0x7], $0x80, s0, s30, $0xb8;
	[tilespmem:$0x1F8C0] =	vst v63  }
0xf1: {  	s0 =	simm.s32 @!p2 $0x6  }
0xf2: {  	_ =	swait.ge @!p2 [sflag:s0], $0x2000  }
0xf3: {  	[sflag:s0] =	ssyncset.done @!p2 $0x0  }
0xf4: {  	[sflag:s0] =	ssyncadd.s32 @!p2 $0xFFFFE000;
	s0 =	sadd.s32 @!p2 $0x480, s23;
	s23 =	simm.s32 @!p2 $0x6000  }
0xf5: {  	[tilespmem:s23], [sflag:$0x2] =	stream.indirect.gather @!p2 [hbm4b:s1+s30], $0x80, s0, s30, $0xb8;
	[tilespmem:$0x1F8C0] =	vst v63  }
.Ltmp8:
0xf6: {  	_ = 	snop;
	(pc) =	sbr.rel @p2 .LBB2_5-.Ltmp8, $4  }
0xf7: {  	_ =	swait.ge [sflag:s12], $0x2000  }
0xf8: {  	[sflag:s12] =	ssyncset.done $0x0  }
0xf9: {  	s30 =	sadd.s32 $0x2380, s21;
	[sflag:s12] =	ssyncadd.s32 $0xFFFFE000  }
0xfa: {  	[spmem:s4] =	stream.indirect.scatter.add.f32 [tilespmem:s28], [sflag:$0x8], $0x80, s30, s19, $0xb8;
	[tilespmem:$0x1F8C0] =	vst v63  }
.Ltmp9:
0xfb: {  	(pc) =	sbr.rel .LBB2_3-.Ltmp9, $4  }
0xfc: {  	_ =	swait.ge [sflag:s7], $0x2000  }
0xfd: {  	[sflag:s7] =	ssyncset.done $0x0  }
0xfe: {  	s0 =	sadd.s32 $0x500, s21;
	s5 =	sadd.s32 $0x800, s5;
	[sflag:s7] =	ssyncadd.s32 $0xFFFFE000  }
0xff: {  	[tilespmem:s24], [sflag:$0x3] =	stream.indirect.gather [hbm4b:s1+s19], $0x80, s0, s19, $0xb8;
	[tilespmem:$0x1F8C0] =	vst v63  }
.LBB2_6:
0x100: {  	[bflag:$0x0] =	sbarrier.arrive $0xFFFF  }
0x101: {  	s5 =	rddreg [dreg:$0x9]  }
0x102: {  	s0 =	simm.s32 @p1 $0x1FC9;
	s21 =	rddreg [dreg:$0xc]  }
0x103: {  	[hbm:s5], [sflag:s0] =	dma.local @p1 [spmem:s21], $0x2080  }
0x104: {  	s0 =	simm.s32 @p1 $0x9  }
0x105: {  	_ =	swait.ge @p1 [sflag:s0], $0x2080  }
0x106: {  	s23 =	rddreg [dreg:$0xd]  }
0x107: {  	[sflag:s0] =	ssyncset.done @p1 $0x0;
	s26 =	rddreg [dreg:$0xe]  }
0x108: {  	[sflag:s0] =	ssyncadd.s32 @p1 $0xFFFFDF80;
	s0 =	rddreg [dreg:$0x8]  }
0x109: {  	[hbm:s0], [sflag:s23] =	dma.local @!p1 [spmem:s26], $0x2780  }
.Ltmp10:
0x10a: {  	_ = 	snop;
	(pc) =	sbr.rel .LBB2_12-.Ltmp10, $4  }
0x10b: {  	s0 =	simm.s32 @!p1 $0x9  }
0x10c: {  	_ =	swait.ge @!p1 [sflag:s0], $0x2780  }
0x10d: {  	[sflag:s0] =	ssyncset.done @!p1 $0x0  }
0x10e: {  	s16 =	rddreg [dreg:$0x5];
	[sflag:s0] =	ssyncadd.s32 @!p1 $0xFFFFD880  }
.LBB2_13:
0x10f: {  	_ =	sfence.sel $0x180000  }
0x110: {  	[bflag:$0x0] =	sbarrier.arrive $0xFFFF  }
0x111: {  	_ =	strace $0x90000047  }
0x112: {  	s0 =	stileid.u32;
	[bflag:$0x2] =	sbarrier.arrive $0xFFFF  }
0x113: {  	p0 =	sne.s32 s0, $0x0;
	s0 =	rddreg [dreg:$0x4]  }
0x114: {  	s0 =	sadd.s32 @!p0 $0x100000, s0  }
0x115: {  	[sflag:s0] =	ssyncadd.tile.s32 @!p0 $0x1;
	_ =	shalt  }
.Lfunc_end2:
_tile_overlayer_lowered:
.L_overlay_start_2:
0x116: {  	(tag) =	ssettag $0x2  }
0x117: {  	s0 =	rddreg [dreg:$0x0];
	s2 =	stileid.u32  }
0x118: {  	s1 =	rddreg [dreg:$0x1];
	p0 =	sne.s32 s2, $0x0  }
0x119: {  	s3 =	rddreg [dreg:$0x2];
	[bflag:$0x3] =	sbarrier.arrive $0xFFFF;
	s2 =	simm.s32 @!p0 $0x1C09  }
0x11a: {  	[timem:s3], [sflag:s2] =	dma.local @!p0 [hbm:s0], s1  }
0x11b: {  	s0 =	simm.s32 @!p0 $0x9  }
0x11c: {  	_ =	swait.ge @!p0 [sflag:s0], s1  }
0x11d: {  	s1 =	ssub.s32 @!p0 $0x0, s1;
	[sflag:s0] =	ssyncset.done @!p0 $0x0  }
0x11e: {  	[sflag:s0] =	ssyncadd.s32 @!p0 s1  }
0x11f: {  	[bflag:$0x3] =	sbarrier.arrive $0xFFFF  }
0x120: {  	_ =	shalt  }

</sc_bundles>
